<compile_context>
chip_gen: v7x
topology: tpu7x:2x2x1
jax: 0.10.2.dev20260603
libtpu: 0.0.44.dev20260713+nightly
codegen_flags: <defaults>
</compile_context>

<pallas_src>
import functools

import jax
import jax.numpy as jnp
from jax import lax
from jax.experimental import pallas as pl
from jax.experimental.pallas import tpu as pltpu
from jax.experimental.pallas import tpu_sc as plsc

_BATCH = 64
_NUM_PATCHES = 1024
_PROJ_DIM = 768
_NC = 2
_NS = 16
_NW = _NC * _NS
_ROWS_PER_W = _NUM_PATCHES // _NW
_CHUNK = _ROWS_PER_W * _PROJ_DIM
_VECS = _CHUNK // 16
_UNROLL = 8


def _sc_body(patches_hbm, pos_hbm, out_hbm, pos_v, buf_v, sem):
    wid = lax.axis_index("s") * _NC + lax.axis_index("c")
    off = wid * _CHUNK
    pltpu.sync_copy(pos_hbm.at[pl.ds(off, _CHUNK)], pos_v)

    def batch_body(b, carry):
        pltpu.sync_copy(patches_hbm.at[b, pl.ds(off, _CHUNK)], buf_v)

        def add_body(i, c2):
            base = i * (16 * _UNROLL)
            for j in range(_UNROLL):
                s = base + j * 16
                buf_v[pl.ds(s, 16)] = buf_v[pl.ds(s, 16)] + pos_v[pl.ds(s, 16)]
            return c2

        lax.fori_loop(0, _VECS // _UNROLL, add_body, 0)
        pltpu.sync_copy(buf_v, out_hbm.at[b, pl.ds(off, _CHUNK)])
        return carry

    lax.fori_loop(0, _BATCH, batch_body, 0)


def kernel(patches, pos_table):
    batch, num_patches, proj_dim = patches.shape
    patches2d = patches.reshape(batch, num_patches * proj_dim)
    pos_flat = pos_table.reshape(num_patches * proj_dim)

    mesh = plsc.VectorSubcoreMesh(core_axis_name="c", subcore_axis_name="s")
    run = functools.partial(
        pl.kernel,
        out_type=jax.ShapeDtypeStruct((batch, num_patches * proj_dim), jnp.float32),
        mesh=mesh,
        scratch_types=[
            pltpu.VMEM((_CHUNK,), jnp.float32),
            pltpu.VMEM((_CHUNK,), jnp.float32),
            pltpu.SemaphoreType.DMA,
        ],
    )(_sc_body)
    out2d = run(patches2d, pos_flat)
    return out2d.reshape(batch, num_patches, proj_dim)

# --- scband reference (transcript-rebuilt; emitter-appended) ---
"""Pipeline reference for scband-embed-patch-53764400611703 (READ-ONLY COPY).

The authoritative reference and input builder live on the scoring server;
editing this copy changes nothing except your own understanding.
"""

import jax, jax.numpy as jnp
import numpy as np

NUM_PATCHES = 1024
PROJ_DIM = 768
BATCH = 64

def setup_inputs(seed: int = 0) -> dict:
    key = jax.random.key(seed)
    k1, k2 = jax.random.split(key)
    patches = jax.random.normal(k1, (BATCH, NUM_PATCHES, PROJ_DIM), dtype=jnp.float32)
    # learnable position embedding table (Embedding layer weight), keras default uniform init
    pos_table = jax.random.uniform(k2, (NUM_PATCHES, PROJ_DIM), dtype=jnp.float32, minval=-0.05, maxval=0.05)
    return {"patches": patches, "pos_table": pos_table}

def reference(patches, pos_table):
    # positions = tf.range(0, num_patches)
    positions = jnp.arange(0, NUM_PATCHES, 1)
    # embedding lookup: gather rows of the table
    pos_emb = jnp.take(pos_table, positions, axis=0)  # [num_patches, proj_dim]
    # broadcast-add over batch dim, same as keras
    return patches + pos_emb

if __name__ == "__main__":
    import jax
    _d = setup_inputs()
    print(jax.jit(kernel)(*tuple(_d.values())))

</pallas_src>

<mosaic_0001>
#map = affine_map<(d0, d1) -> (0, 0)>
#map1 = affine_map<(d0, d1) -> (0)>
module attributes {stable_mosaic.version = 14 : i64} {
  func.func @_sc_body(%arg0: i32, %arg1: i32, %arg2: memref<64x786432xf32, #tpu.memory_space<hbm>>, %arg3: memref<786432xf32, #tpu.memory_space<hbm>>, %arg4: memref<64x786432xf32, #tpu.memory_space<hbm>>, %arg5: memref<24576xf32, #tpu.memory_space<vmem>>, %arg6: memref<24576xf32, #tpu.memory_space<vmem>>, %arg7: memref<!tpu.dma_semaphore, #tpu.memory_space<semaphore_mem>>) attributes {dimension_semantics = [#tpu.dimension_semantics<core_parallel>, #tpu.dimension_semantics<subcore_parallel>], iteration_bounds = array<i64: 2, 16>, scalar_prefetch = 0 : i64, scratch_operands = 3 : i64, tpu.core_type = #tpu.core_type<sc_vector_subcore>, window_params = [{transform_indices = #map}, {transform_indices = #map1}, {transform_indices = #map}]} {
    %mul3A = arith.constant 2 : i32
    %mul3A_0 = arith.muli %arg1, %mul3A : i32
    %add3A = arith.addi %mul3A_0, %arg0 : i32
    %mul3A_1 = arith.constant 24576 : i32
    %mul3A_2 = arith.muli %add3A, %mul3A_1 : i32
    "tpu.region"() ({
      %run_scoped3A = tpu.sem_alloc : memref<!tpu.dma_semaphore, #tpu.memory_space<semaphore_mem>>
      %dma_start3A = tpu.memref_slice %arg3[%mul3A_2] : memref<786432xf32, #tpu.memory_space<hbm>> -> memref<24576xf32, #tpu.memory_space<hbm>>
      %dma_start3A_8 = tpu.memref_slice %arg3[%mul3A_2] : memref<786432xf32, #tpu.memory_space<hbm>> -> memref<24576xf32, #tpu.memory_space<hbm>>
      tpu.enqueue_dma source(%dma_start3A_8 : memref<24576xf32, #tpu.memory_space<hbm>>) target(%arg5 : memref<24576xf32, #tpu.memory_space<vmem>>) target_semaphore(%run_scoped3A : memref<!tpu.dma_semaphore, #tpu.memory_space<semaphore_mem>>)
      %dma_wait3A = tpu.memref_slice %arg3[%mul3A_2] : memref<786432xf32, #tpu.memory_space<hbm>> -> memref<24576xf32, #tpu.memory_space<hbm>>
      %dma_wait3A_9 = tpu.memref_slice %arg3[%mul3A_2] : memref<786432xf32, #tpu.memory_space<hbm>> -> memref<24576xf32, #tpu.memory_space<hbm>>
      tpu.wait_dma2 semaphore(%run_scoped3A : memref<!tpu.dma_semaphore, #tpu.memory_space<semaphore_mem>>) src(%dma_wait3A_9 : memref<24576xf32, #tpu.memory_space<hbm>>) dst(%arg5 : memref<24576xf32, #tpu.memory_space<vmem>>)
      tpu.yield
    }) : () -> ()
    %scan3A = arith.constant 0 : i32
    %scan3A_3 = arith.constant 0 : i32
    %scan3A_4 = arith.constant 64 : i32
    %scan3A_5 = arith.addi %scan3A_3, %scan3A_4 : i32
    %scan3A_6 = arith.constant 1 : i32
    scf.for %scan3A_8 = %scan3A_3 to %scan3A_5 step %scan3A_6  : i32 {
      "tpu.region"() ({
        %run_scoped3A = tpu.sem_alloc : memref<!tpu.dma_semaphore, #tpu.memory_space<semaphore_mem>>
        %dma_start3A = tpu.memref_slice %arg2[%scan3A_8, %mul3A_2] : memref<64x786432xf32, #tpu.memory_space<hbm>> -> memref<1x24576xf32, #tpu.memory_space<hbm>>
        %dma_start3A_15 = tpu.memref_squeeze %dma_start3A : memref<1x24576xf32, #tpu.memory_space<hbm>> -> memref<24576xf32, #tpu.memory_space<hbm>>
        %dma_start3A_16 = tpu.memref_slice %arg2[%scan3A_8, %mul3A_2] : memref<64x786432xf32, #tpu.memory_space<hbm>> -> memref<1x24576xf32, #tpu.memory_space<hbm>>
        %dma_start3A_17 = tpu.memref_squeeze %dma_start3A_16 : memref<1x24576xf32, #tpu.memory_space<hbm>> -> memref<24576xf32, #tpu.memory_space<hbm>>
        tpu.enqueue_dma source(%dma_start3A_17 : memref<24576xf32, #tpu.memory_space<hbm>>) target(%arg6 : memref<24576xf32, #tpu.memory_space<vmem>>) target_semaphore(%run_scoped3A : memref<!tpu.dma_semaphore, #tpu.memory_space<semaphore_mem>>)
        %dma_wait3A = tpu.memref_slice %arg2[%scan3A_8, %mul3A_2] : memref<64x786432xf32, #tpu.memory_space<hbm>> -> memref<1x24576xf32, #tpu.memory_space<hbm>>
        %dma_wait3A_18 = tpu.memref_squeeze %dma_wait3A : memref<1x24576xf32, #tpu.memory_space<hbm>> -> memref<24576xf32, #tpu.memory_space<hbm>>
        %dma_wait3A_19 = tpu.memref_slice %arg2[%scan3A_8, %mul3A_2] : memref<64x786432xf32, #tpu.memory_space<hbm>> -> memref<1x24576xf32, #tpu.memory_space<hbm>>
        %dma_wait3A_20 = tpu.memref_squeeze %dma_wait3A_19 : memref<1x24576xf32, #tpu.memory_space<hbm>> -> memref<24576xf32, #tpu.memory_space<hbm>>
        tpu.wait_dma2 semaphore(%run_scoped3A : memref<!tpu.dma_semaphore, #tpu.memory_space<semaphore_mem>>) src(%dma_wait3A_20 : memref<24576xf32, #tpu.memory_space<hbm>>) dst(%arg6 : memref<24576xf32, #tpu.memory_space<vmem>>)
        tpu.yield
      }) : () -> ()
      %scan3A_9 = arith.constant 0 : i32
      %scan3A_10 = arith.constant 0 : i32
      %scan3A_11 = arith.constant 192 : i32
      %scan3A_12 = arith.addi %scan3A_10, %scan3A_11 : i32
      %scan3A_13 = arith.constant 1 : i32
      scf.for %scan3A_15 = %scan3A_10 to %scan3A_12 step %scan3A_13  : i32 {
        %mul3A_16 = arith.constant 128 : i32
        %mul3A_17 = arith.muli %scan3A_15, %mul3A_16 : i32
        %add3A_18 = arith.constant 0 : i32
        %add3A_19 = arith.addi %mul3A_17, %add3A_18 : i32
        %get3A = arith.index_cast %add3A_19 : i32 to index
        %get3A_20 = tpu.vector_load %arg6[%get3A] {strides = array<i32>} : memref<24576xf32, #tpu.memory_space<vmem>>, vector<16xf32>,
        %get3A_21 = vector.shape_cast %get3A_20 : vector<16xf32> to vector<16xf32>
        %get3A_22 = arith.index_cast %add3A_19 : i32 to index
        %get3A_23 = tpu.vector_load %arg5[%get3A_22] {strides = array<i32>} : memref<24576xf32, #tpu.memory_space<vmem>>, vector<16xf32>,
        %get3A_24 = vector.shape_cast %get3A_23 : vector<16xf32> to vector<16xf32>
        %add3A_25 = arith.addf %get3A_21, %get3A_24 : vector<16xf32>
        %swap3A = arith.index_cast %add3A_19 : i32 to index
        %swap3A_26 = tpu.vector_load %arg6[%swap3A] {strides = array<i32>} : memref<24576xf32, #tpu.memory_space<vmem>>, vector<16xf32>,
        %swap3A_27 = vector.shape_cast %swap3A_26 : vector<16xf32> to vector<16xf32>
        %swap3A_28 = vector.shape_cast %add3A_25 : vector<16xf32> to vector<16xf32>
        tpu.vector_store %arg6[%swap3A], %swap3A_28 {strides = array<i32>} : memref<24576xf32, #tpu.memory_space<vmem>>, vector<16xf32>,
        %add3A_29 = arith.constant 16 : i32
        %add3A_30 = arith.addi %mul3A_17, %add3A_29 : i32
        %get3A_31 = arith.index_cast %add3A_30 : i32 to index
        %get3A_32 = tpu.vector_load %arg6[%get3A_31] {strides = array<i32>} : memref<24576xf32, #tpu.memory_space<vmem>>, vector<16xf32>,
        %get3A_33 = vector.shape_cast %get3A_32 : vector<16xf32> to vector<16xf32>
        %get3A_34 = arith.index_cast %add3A_30 : i32 to index
        %get3A_35 = tpu.vector_load %arg5[%get3A_34] {strides = array<i32>} : memref<24576xf32, #tpu.memory_space<vmem>>, vector<16xf32>,
        %get3A_36 = vector.shape_cast %get3A_35 : vector<16xf32> to vector<16xf32>
        %add3A_37 = arith.addf %get3A_33, %get3A_36 : vector<16xf32>
        %swap3A_38 = arith.index_cast %add3A_30 : i32 to index
        %swap3A_39 = tpu.vector_load %arg6[%swap3A_38] {strides = array<i32>} : memref<24576xf32, #tpu.memory_space<vmem>>, vector<16xf32>,
        %swap3A_40 = vector.shape_cast %swap3A_39 : vector<16xf32> to vector<16xf32>
        %swap3A_41 = vector.shape_cast %add3A_37 : vector<16xf32> to vector<16xf32>
        tpu.vector_store %arg6[%swap3A_38], %swap3A_41 {strides = array<i32>} : memref<24576xf32, #tpu.memory_space<vmem>>, vector<16xf32>,
        %add3A_42 = arith.constant 32 : i32
        %add3A_43 = arith.addi %mul3A_17, %add3A_42 : i32
        %get3A_44 = arith.index_cast %add3A_43 : i32 to index
        %get3A_45 = tpu.vector_load %arg6[%get3A_44] {strides = array<i32>} : memref<24576xf32, #tpu.memory_space<vmem>>, vector<16xf32>,
        %get3A_46 = vector.shape_cast %get3A_45 : vector<16xf32> to vector<16xf32>
        %get3A_47 = arith.index_cast %add3A_43 : i32 to index
        %get3A_48 = tpu.vector_load %arg5[%get3A_47] {strides = array<i32>} : memref<24576xf32, #tpu.memory_space<vmem>>, vector<16xf32>,
        %get3A_49 = vector.shape_cast %get3A_48 : vector<16xf32> to vector<16xf32>
        %add3A_50 = arith.addf %get3A_46, %get3A_49 : vector<16xf32>
        %swap3A_51 = arith.index_cast %add3A_43 : i32 to index
        %swap3A_52 = tpu.vector_load %arg6[%swap3A_51] {strides = array<i32>} : memref<24576xf32, #tpu.memory_space<vmem>>, vector<16xf32>,
        %swap3A_53 = vector.shape_cast %swap3A_52 : vector<16xf32> to vector<16xf32>
        %swap3A_54 = vector.shape_cast %add3A_50 : vector<16xf32> to vector<16xf32>
        tpu.vector_store %arg6[%swap3A_51], %swap3A_54 {strides = array<i32>} : memref<24576xf32, #tpu.memory_space<vmem>>, vector<16xf32>,
        %add3A_55 = arith.constant 48 : i32
        %add3A_56 = arith.addi %mul3A_17, %add3A_55 : i32
        %get3A_57 = arith.index_cast %add3A_56 : i32 to index
        %get3A_58 = tpu.vector_load %arg6[%get3A_57] {strides = array<i32>} : memref<24576xf32, #tpu.memory_space<vmem>>, vector<16xf32>,
        %get3A_59 = vector.shape_cast %get3A_58 : vector<16xf32> to vector<16xf32>
        %get3A_60 = arith.index_cast %add3A_56 : i32 to index
        %get3A_61 = tpu.vector_load %arg5[%get3A_60] {strides = array<i32>} : memref<24576xf32, #tpu.memory_space<vmem>>, vector<16xf32>,
        %get3A_62 = vector.shape_cast %get3A_61 : vector<16xf32> to vector<16xf32>
        %add3A_63 = arith.addf %get3A_59, %get3A_62 : vector<16xf32>
        %swap3A_64 = arith.index_cast %add3A_56 : i32 to index
        %swap3A_65 = tpu.vector_load %arg6[%swap3A_64] {strides = array<i32>} : memref<24576xf32, #tpu.memory_space<vmem>>, vector<16xf32>,
        %swap3A_66 = vector.shape_cast %swap3A_65 : vector<16xf32> to vector<16xf32>
        %swap3A_67 = vector.shape_cast %add3A_63 : vector<16xf32> to vector<16xf32>
        tpu.vector_store %arg6[%swap3A_64], %swap3A_67 {strides = array<i32>} : memref<24576xf32, #tpu.memory_space<vmem>>, vector<16xf32>,
        %add3A_68 = arith.constant 64 : i32
        %add3A_69 = arith.addi %mul3A_17, %add3A_68 : i32
        %get3A_70 = arith.index_cast %add3A_69 : i32 to index
        %get3A_71 = tpu.vector_load %arg6[%get3A_70] {strides = array<i32>} : memref<24576xf32, #tpu.memory_space<vmem>>, vector<16xf32>,
        %get3A_72 = vector.shape_cast %get3A_71 : vector<16xf32> to vector<16xf32>
        %get3A_73 = arith.index_cast %add3A_69 : i32 to index
        %get3A_74 = tpu.vector_load %arg5[%get3A_73] {strides = array<i32>} : memref<24576xf32, #tpu.memory_space<vmem>>, vector<16xf32>,
        %get3A_75 = vector.shape_cast %get3A_74 : vector<16xf32> to vector<16xf32>
        %add3A_76 = arith.addf %get3A_72, %get3A_75 : vector<16xf32>
        %swap3A_77 = arith.index_cast %add3A_69 : i32 to index
        %swap3A_78 = tpu.vector_load %arg6[%swap3A_77] {strides = array<i32>} : memref<24576xf32, #tpu.memory_space<vmem>>, vector<16xf32>,
        %swap3A_79 = vector.shape_cast %swap3A_78 : vector<16xf32> to vector<16xf32>
        %swap3A_80 = vector.shape_cast %add3A_76 : vector<16xf32> to vector<16xf32>
        tpu.vector_store %arg6[%swap3A_77], %swap3A_80 {strides = array<i32>} : memref<24576xf32, #tpu.memory_space<vmem>>, vector<16xf32>,
        %add3A_81 = arith.constant 80 : i32
        %add3A_82 = arith.addi %mul3A_17, %add3A_81 : i32
        %get3A_83 = arith.index_cast %add3A_82 : i32 to index
        %get3A_84 = tpu.vector_load %arg6[%get3A_83] {strides = array<i32>} : memref<24576xf32, #tpu.memory_space<vmem>>, vector<16xf32>,
        %get3A_85 = vector.shape_cast %get3A_84 : vector<16xf32> to vector<16xf32>
        %get3A_86 = arith.index_cast %add3A_82 : i32 to index
        %get3A_87 = tpu.vector_load %arg5[%get3A_86] {strides = array<i32>} : memref<24576xf32, #tpu.memory_space<vmem>>, vector<16xf32>,
        %get3A_88 = vector.shape_cast %get3A_87 : vector<16xf32> to vector<16xf32>
        %add3A_89 = arith.addf %get3A_85, %get3A_88 : vector<16xf32>
        %swap3A_90 = arith.index_cast %add3A_82 : i32 to index
        %swap3A_91 = tpu.vector_load %arg6[%swap3A_90] {strides = array<i32>} : memref<24576xf32, #tpu.memory_space<vmem>>, vector<16xf32>,
        %swap3A_92 = vector.shape_cast %swap3A_91 : vector<16xf32> to vector<16xf32>
        %swap3A_93 = vector.shape_cast %add3A_89 : vector<16xf32> to vector<16xf32>
        tpu.vector_store %arg6[%swap3A_90], %swap3A_93 {strides = array<i32>} : memref<24576xf32, #tpu.memory_space<vmem>>, vector<16xf32>,
        %add3A_94 = arith.constant 96 : i32
        %add3A_95 = arith.addi %mul3A_17, %add3A_94 : i32
        %get3A_96 = arith.index_cast %add3A_95 : i32 to index
        %get3A_97 = tpu.vector_load %arg6[%get3A_96] {strides = array<i32>} : memref<24576xf32, #tpu.memory_space<vmem>>, vector<16xf32>,
        %get3A_98 = vector.shape_cast %get3A_97 : vector<16xf32> to vector<16xf32>
        %get3A_99 = arith.index_cast %add3A_95 : i32 to index
        %get3A_100 = tpu.vector_load %arg5[%get3A_99] {strides = array<i32>} : memref<24576xf32, #tpu.memory_space<vmem>>, vector<16xf32>,
        %get3A_101 = vector.shape_cast %get3A_100 : vector<16xf32> to vector<16xf32>
        %add3A_102 = arith.addf %get3A_98, %get3A_101 : vector<16xf32>
        %swap3A_103 = arith.index_cast %add3A_95 : i32 to index
        %swap3A_104 = tpu.vector_load %arg6[%swap3A_103] {strides = array<i32>} : memref<24576xf32, #tpu.memory_space<vmem>>, vector<16xf32>,
        %swap3A_105 = vector.shape_cast %swap3A_104 : vector<16xf32> to vector<16xf32>
        %swap3A_106 = vector.shape_cast %add3A_102 : vector<16xf32> to vector<16xf32>
        tpu.vector_store %arg6[%swap3A_103], %swap3A_106 {strides = array<i32>} : memref<24576xf32, #tpu.memory_space<vmem>>, vector<16xf32>,
        %add3A_107 = arith.constant 112 : i32
        %add3A_108 = arith.addi %mul3A_17, %add3A_107 : i32
        %get3A_109 = arith.index_cast %add3A_108 : i32 to index
        %get3A_110 = tpu.vector_load %arg6[%get3A_109] {strides = array<i32>} : memref<24576xf32, #tpu.memory_space<vmem>>, vector<16xf32>,
        %get3A_111 = vector.shape_cast %get3A_110 : vector<16xf32> to vector<16xf32>
        %get3A_112 = arith.index_cast %add3A_108 : i32 to index
        %get3A_113 = tpu.vector_load %arg5[%get3A_112] {strides = array<i32>} : memref<24576xf32, #tpu.memory_space<vmem>>, vector<16xf32>,
        %get3A_114 = vector.shape_cast %get3A_113 : vector<16xf32> to vector<16xf32>
        %add3A_115 = arith.addf %get3A_111, %get3A_114 : vector<16xf32>
        %swap3A_116 = arith.index_cast %add3A_108 : i32 to index
        %swap3A_117 = tpu.vector_load %arg6[%swap3A_116] {strides = array<i32>} : memref<24576xf32, #tpu.memory_space<vmem>>, vector<16xf32>,
        %swap3A_118 = vector.shape_cast %swap3A_117 : vector<16xf32> to vector<16xf32>
        %swap3A_119 = vector.shape_cast %add3A_115 : vector<16xf32> to vector<16xf32>
        tpu.vector_store %arg6[%swap3A_116], %swap3A_119 {strides = array<i32>} : memref<24576xf32, #tpu.memory_space<vmem>>, vector<16xf32>,
      }
      %scan3A_14 = arith.constant 192 : i32
      "tpu.region"() ({
        %run_scoped3A = tpu.sem_alloc : memref<!tpu.dma_semaphore, #tpu.memory_space<semaphore_mem>>
        %dma_start3A = tpu.memref_slice %arg4[%scan3A_8, %mul3A_2] : memref<64x786432xf32, #tpu.memory_space<hbm>> -> memref<1x24576xf32, #tpu.memory_space<hbm>>
        %dma_start3A_15 = tpu.memref_squeeze %dma_start3A : memref<1x24576xf32, #tpu.memory_space<hbm>> -> memref<24576xf32, #tpu.memory_space<hbm>>
        %dma_start3A_16 = tpu.memref_slice %arg4[%scan3A_8, %mul3A_2] : memref<64x786432xf32, #tpu.memory_space<hbm>> -> memref<1x24576xf32, #tpu.memory_space<hbm>>
        %dma_start3A_17 = tpu.memref_squeeze %dma_start3A_16 : memref<1x24576xf32, #tpu.memory_space<hbm>> -> memref<24576xf32, #tpu.memory_space<hbm>>
        tpu.enqueue_dma source(%arg6 : memref<24576xf32, #tpu.memory_space<vmem>>) target(%dma_start3A_17 : memref<24576xf32, #tpu.memory_space<hbm>>) target_semaphore(%run_scoped3A : memref<!tpu.dma_semaphore, #tpu.memory_space<semaphore_mem>>)
        %dma_wait3A = tpu.memref_slice %arg4[%scan3A_8, %mul3A_2] : memref<64x786432xf32, #tpu.memory_space<hbm>> -> memref<1x24576xf32, #tpu.memory_space<hbm>>
        %dma_wait3A_18 = tpu.memref_squeeze %dma_wait3A : memref<1x24576xf32, #tpu.memory_space<hbm>> -> memref<24576xf32, #tpu.memory_space<hbm>>
        %dma_wait3A_19 = tpu.memref_slice %arg4[%scan3A_8, %mul3A_2] : memref<64x786432xf32, #tpu.memory_space<hbm>> -> memref<1x24576xf32, #tpu.memory_space<hbm>>
        %dma_wait3A_20 = tpu.memref_squeeze %dma_wait3A_19 : memref<1x24576xf32, #tpu.memory_space<hbm>> -> memref<24576xf32, #tpu.memory_space<hbm>>
        tpu.wait_dma2 semaphore(%run_scoped3A : memref<!tpu.dma_semaphore, #tpu.memory_space<semaphore_mem>>) src(%arg6 : memref<24576xf32, #tpu.memory_space<vmem>>) dst(%dma_wait3A_20 : memref<24576xf32, #tpu.memory_space<hbm>>)
        tpu.yield
      }) : () -> ()
    }
    %scan3A_7 = arith.constant 64 : i32
    return
  }
}

</mosaic_0001>

<sc_bundles>
// kernel: kernel.3.cloned.1.call-start
scs
__scs_entry_jumppad:
0x0: {  	(pc) =	sbr.rel $0x88, $3  }
0x1: {  	(tag) =	ssettag $0x0;
	lr =	simm.s32 $0x1  }
0x2: {  	[smem:$0x3F9F] =	sst lr;
	_ =	strace $0xD0000000  }
0x3: {  	_ = 	snop  }
0x4: {  	_ = 	snop  }
0x5: {  	_ = 	snop  }
0x6: {  	_ = 	snop  }
0x7: {  	_ = 	snop  }
__scs_overlays_trampoline_lowered:
0x8: {  	[smem:$0x3FAE] =	sst s0  }
0x9: {  	[smem:$0x3FAF] =	sst s1  }
0xa: {  	[smem:$0x3FB0] =	sst s2  }
0xb: {  	[smem:$0x3FB1] =	sst s3  }
0xc: {  	[smem:$0x3FB2] =	sst s4  }
0xd: {  	[smem:$0x3FB3] =	sst s5  }
0xe: {  	[smem:$0x3FB4] =	sst s6  }
0xf: {  	[smem:$0x3FB5] =	sst s7  }
0x10: {  	[smem:$0x3FB6] =	sst s8  }
0x11: {  	[smem:$0x3FB7] =	sst s9;
	s0 =	simm.s32 @!p0 $0x0  }
0x12: {  	s1 =	sld [smem:$0x3F9D];
	s0 =	simm.s32 @p0 $0x1  }
0x13: {  	[smem:$0x3FB8] =	sst s0;
	s0 =	simm.s32 @!p1 $0x0  }
0x14: {  	s2 =	sld [smem:$0x3F9C];
	s0 =	simm.s32 @p1 $0x1  }
0x15: {  	[smem:$0x3FB9] =	sst s0;
	s0 =	simm.s32 @!p2 $0x0  }
0x16: {  	s3 =	sld [smem:$0x3FDB];
	s0 =	simm.s32 @p2 $0x1  }
0x17: {  	s4 =	simm.s32 $0x1BF5;
	[smem:$0x3FBB] =	sst s0  }
0x18: {  	s0 =	sld [smem:$0x3F9E];
	_ =	swait.ge [sflag:s4], $0x0  }
0x19: {  	s7 =	sld [smem:$0x3F9F]  }
0x1a: {  	s8 =	sadd.s32 $0xFFFFE003, lr  }
0x1b: {  	s9 =	sadd.s32 $0xFFFFFEF7, lr;
	s5 =	simm.s32 $0xFFFFFFFF;
	p2 =	slt.u32 s8, $0xFFFFF086  }
0x1c: {  	p1 =	slt.u32 s9, $0xF7A;
	s5 =	simm.s32 @!p2 $0x0  }
0x1d: {  	s5 =	simm.s32 @p1 $0x1;
	p0 =	seq.s32 s7, s2  }
0x1e: {  	s7 =	smul.u32 @!p0 $0xF7A, s2;
	p2 =	seq.s32 @!p0 s5, $0x0  }
0x1f: {  	s9 =	smul.u32 $0xF7A, s1;
	s8 =	simm.s32 @!p0 $0x1BF5;
	p2 =	por !p2, p0  }
0x20: {  	[sflag:s8] =	ssyncset.s32 @!p0 $0xFFFFF086;
	s6 =	sadd.s32 @!p0 s3, s7;
	s7 =	simm.s32 @!p0 $0x108  }
0x21: {  	s3 =	sadd.s32 s3, s9;
	s6 =	sadd.s32 @!p0 $0x88, s6;
	s7 =	simm.s32 @p2 $0x1082  }
0x22: {  	[simem:s7], [sflag:s8] =	dma.local @!p0 [hbm:s6], $0xF7A  }
0x23: {  	s9 =	sor.u32 $0xD0000000, s2;
	s6 =	simm.s32 $0x108;
	_ =	swait.ge @!p0 [sflag:s8], $0x0  }
0x24: {  	s3 =	sadd.s32 $0x88, s3;
	s6 =	simm.s32 @!p1 $0x1082;
	[sflag:s4] =	ssyncset.s32 $0xFFFFF086  }
0x25: {  	[simem:s6], [sflag:s4] =	dma.local [hbm:s3], $0xF7A  }
0x26: {  	[smem:$0x3F9F] =	sst s1;
	(tag) =	ssettag s2;
	_ =	strace s9  }
0x27: {  	s1 =	sld [smem:$0x3FAF]  }
0x28: {  	s2 =	sld [smem:$0x3FB0]  }
0x29: {  	s4 =	sld [smem:$0x3FB2]  }
0x2a: {  	p0 =	seq.s32 s5, $0x0;
	s5 =	sld [smem:$0x3FB3]  }
0x2b: {  	s6 =	sld [smem:$0x3FB4]  }
0x2c: {  	s7 =	sld [smem:$0x3FB5]  }
0x2d: {  	s3 =	simm.s32 $0x108;
	s8 =	sld [smem:$0x3FB6]  }
0x2e: {  	s3 =	simm.s32 @!p0 $0x1082;
	s9 =	sld [smem:$0x3FB7]  }
0x2f: {  	lr =	sadd.s32 s0, s3;
	s0 =	sld [smem:$0x3FAE]  }
0x30: {  	s3 =	sld [smem:$0x3FB1]  }
0x31: {  	[smem:$0x3FBA] =	sst s10  }
0x32: {  	s10 =	sld [smem:$0x3FB8];
	_ =	sdelay $0x3  }
0x33: {  	p0 =	seq.s32 s10, $0x1;
	s10 =	sld [smem:$0x3FBA];
	_ =	sdelay $0x3  }
0x34: {  	[smem:$0x3FBA] =	sst s10  }
0x35: {  	s10 =	sld [smem:$0x3FB9];
	_ =	sdelay $0x3  }
0x36: {  	p1 =	seq.s32 s10, $0x1;
	s10 =	sld [smem:$0x3FBA];
	_ =	sdelay $0x3  }
0x37: {  	[smem:$0x3FBA] =	sst s10  }
0x38: {  	s10 =	sld [smem:$0x3FBB]  }
0x39: {  	_ = 	snop;
	(pc) =	sbr.ind lr, $3  }
0x3a: {  	_ = 	snop  }
0x3b: {  	_ = 	snop  }
0x3c: {  	p2 =	seq.s32 s10, $0x1;
	s10 =	sld [smem:$0x3FBA]  }
0x3d: {  	_ =	shalt  }
0x3e: {  	_ =	shalt  }
0x3f: {  	_ =	shalt  }
0x40: {  	_ =	shalt  }
0x41: {  	_ =	shalt  }
0x42: {  	_ =	shalt  }
0x43: {  	_ =	shalt  }
0x44: {  	_ =	shalt  }
0x45: {  	_ =	shalt  }
0x46: {  	_ =	shalt  }
0x47: {  	_ =	shalt  }
0x48: {  	_ =	shalt  }
0x49: {  	_ =	shalt  }
0x4a: {  	_ =	shalt  }
0x4b: {  	_ =	shalt  }
0x4c: {  	_ =	shalt  }
0x4d: {  	_ =	shalt  }
0x4e: {  	_ =	shalt  }
0x4f: {  	_ =	shalt  }
0x50: {  	_ =	shalt  }
0x51: {  	_ =	shalt  }
0x52: {  	_ =	shalt  }
0x53: {  	_ =	shalt  }
0x54: {  	_ =	shalt  }
0x55: {  	_ =	shalt  }
0x56: {  	_ =	shalt  }
0x57: {  	_ =	shalt  }
0x58: {  	_ =	shalt  }
0x59: {  	_ =	shalt  }
0x5a: {  	_ =	shalt  }
0x5b: {  	_ =	shalt  }
0x5c: {  	_ =	shalt  }
0x5d: {  	_ =	shalt  }
0x5e: {  	_ =	shalt  }
0x5f: {  	_ =	shalt  }
0x60: {  	_ =	shalt  }
0x61: {  	_ =	shalt  }
0x62: {  	_ =	shalt  }
0x63: {  	_ =	shalt  }
0x64: {  	_ =	shalt  }
0x65: {  	_ =	shalt  }
0x66: {  	_ =	shalt  }
0x67: {  	_ =	shalt  }
0x68: {  	_ =	shalt  }
0x69: {  	_ =	shalt  }
0x6a: {  	_ =	shalt  }
0x6b: {  	_ =	shalt  }
0x6c: {  	_ =	shalt  }
0x6d: {  	_ =	shalt  }
0x6e: {  	_ =	shalt  }
0x6f: {  	_ =	shalt  }
0x70: {  	_ =	shalt  }
0x71: {  	_ =	shalt  }
0x72: {  	_ =	shalt  }
0x73: {  	_ =	shalt  }
0x74: {  	_ =	shalt  }
0x75: {  	_ =	shalt  }
0x76: {  	_ =	shalt  }
0x77: {  	_ =	shalt  }
0x78: {  	_ =	shalt  }
0x79: {  	_ =	shalt  }
0x7a: {  	_ =	shalt  }
0x7b: {  	_ =	shalt  }
0x7c: {  	_ =	shalt  }
0x7d: {  	_ =	shalt  }
0x7e: {  	_ =	shalt  }
0x7f: {  	_ =	shalt  }
0x80: {  	_ =	shalt  }
0x81: {  	_ =	shalt  }
0x82: {  	_ =	shalt  }
0x83: {  	_ =	shalt  }
0x84: {  	_ =	shalt  }
0x85: {  	_ =	shalt  }
0x86: {  	_ =	shalt  }
0x87: {  	_ =	shalt  }
.Lfunc_end0:
.L_simem_size_0:
called_computation.2_lowered:
.L_overlay_start_0:
0x88: {  	s2 =	sld [smem:$0x3FD9]  }
0x89: {  	s3 =	sld [smem:$0x3FFE];
	_ =	sdelay $0x1  }
0x8a: {  	s1 =	srdreg.scid  }
0x8b: {  	s0 =	sand.u32 $0x1, s1  }
0x8c: {  	s17 =	sshll.u32 s0, $0xA;
	s2 =	sadd.s32 s3, s2  }
0x8d: {  	s2 =	sadd.s32 s2, s17  }
0x8e: {  	[smem:$0x3FC6] =	sst s2  }
0x8f: {  	_ = 	snop  }
0x90: {  	s2 =	sld [smem:$0x3FD0];
	(tm) =	ssettm $0x1  }
0x91: {  	s18 =	sld [smem:$0x3FFB];
	_ =	sdelay $0x3  }
0x92: {  	_ =	strace s18  }
0x93: {  	s3 =	sld [smem:$0x3FFC];
	_ =	sdelay $0x3  }
0x94: {  	_ =	strace s3  }
0x95: {  	s3 =	sld [smem:$0x3FFD];
	_ =	sdelay $0x3  }
0x96: {  	_ =	strace s3  }
0x97: {  	_ =	strace $0x8FFFFFFF  }
0x98: {  	s19 =	sld [smem:$0x3FDB];
	_ =	sdelay $0x1  }
0x99: {  	s4 =	simm.s32 $_scs_section_size  }
0x9a: {  	s5 =	simm.s32 $_size__tile_overlayer_lowered;
	s6 =	simm.s32 $_tile_overlayer_lowered  }
0x9b: {  	s22 =	simm.s32 $0x1BFF;
	s21 =	sshll.u32 s6, $0x1;
	s3 =	sadd.s32 s4, s19  }
0x9c: {  	s7 =	simm.s32 $0x0;
	s20 =	sshll.u32 s5, $0x1;
	s5 =	sadd.s32 s21, s3  }
0x9d: {  	[timem:s7], [sflag:s22] =	dma.local [hbm:s5], s20  }
0x9e: {  	_ =	swait.ge [sflag:s22], s20  }
0x9f: {  	s4 =	ssub.s32 $0x0, s20;
	[sflag:s22] =	ssyncset.done $0x0  }
0xa0: {  	[sflag:s22] =	ssyncadd.s32 s4;
	_ =	sdelay $0x1  }
0xa1: {  	s23 =	simm.s32 $0x1B8B  }
0xa2: {  	_ =	swait.ge [sflag:s23], $0x1  }
0xa3: {  	[sflag:s23] =	ssyncset.done $0x0  }
0xa4: {  	s25 =	simm.s32 $0x1B8E;
	s24 =	sld [smem:$0x3FFE];
	[sflag:s23] =	ssyncadd.s32 $0xFFFFFFFF  }
0xa5: {  	s26 =	simm.s32 $execute0_lowered;
	[smem:$0x3FD2] =	sst s25  }
0xa6: {  	s5 =	sshll.u32 s26, $0x1;
	_ =	strace $0x80000049;
	[dreg:$0x1] =	wrdreg $0xFFFFFFFF  }
0xa7: {  	s28 =	simm.s32 $_size_execute0_lowered;
	s3 =	sadd.s32 s3, s5;
	[dreg:$0x0] =	wrdreg $0x0  }
0xa8: {  	s5 =	sshll.u32 s28, $0x1;
	[dreg:$0x2] =	wrdreg s3  }
0xa9: {  	[dreg:$0x3] =	wrdreg s5  }
0xaa: {  	[dreg:$0x4] =	wrdreg $0xC0  }
0xab: {  	_ =	task [dreg:s7], $0x5FFFF  }
0xac: {  	[dreg:$0x1] =	wrdreg $0xFFFFFFFF  }
0xad: {  	[dreg:$0x0] =	wrdreg $0x60  }
0xae: {  	[dreg:$0x2] =	wrdreg s2  }
0xaf: {  	[dreg:$0x3] =	wrdreg s24  }
0xb0: {  	[dreg:$0x4] =	wrdreg $0x9  }
0xb1: {  	_ =	task.clear_ibuf [dreg:s7], $0x5FFFF;
	_ =	strace $0x90000049  }
0xb2: {  	s29 =	simm.s32 $0x9;
	_ =	strace $0x8000004B  }
0xb3: {  	_ =	swait.ge [sflag:s29], $0x1  }
0xb4: {  	[sflag:s29] =	ssyncadd.s32 $0xFFFFFFFF  }
0xb5: {  	_ =	strace $0x9000004B  }
0xb6: {  	_ =	sfence  }
0xb7: {  	s30 =	sld [smem:$0x0];
	_ =	sdelay $0x2  }
0xb8: {  	s31 =	sshll.u32 s1, $0xD;
	s1 =	sshrl.u32 s1, $0x2  }
0xb9: {  	s3 =	sand.u32 $0x4000, s31;
	s1 =	sadd.s32 s1, s30  }
0xba: {  	s0 =	sor.u32 s3, s0;
	s1 =	sshll.u32 s1, $0x11  }
0xbb: {  	s0 =	sor.u32 s1, s0  }
0xbc: {  	s0 =	sadd.s32 $0x8F2B, s0  }
0xbd: {  	[sflag:s0] =	ssyncadd.remote.s32 $0x1  }
0xbe: {  	_ =	sfence.sel $0xFFFF  }
0xbf: {  	[dreg:$0x0] =	wrdreg $0xFFFFFFFF;
	(pc) =	sbr.abs _section_cstart, $3  }
0xc0: {  	[dreg:$0x1] =	wrdreg $0xFFFFFFFF  }
0xc1: {  	_ =	task.clear_ibuf [dreg:s7], $0x2FFFF;
	_ =	strace $0x9FFFFFFF  }
0xc2: {  	(tm) =	ssettm $0x7FFFFFFF  }
0xc3: {  	_ =	shalt  }
tec
execute0_lowered:
.L_overlay_start_1:
0x0: {  	(tag) =	ssettag $0x1  }
0x1: {  	s2 =	rddreg [dreg:$0x0];
	s1 =	srdreg.scid  }
0x2: {  	s0 =	stileid.u32;
	s4 =	rddreg [dreg:$0x1]  }
0x3: {  	s3 =	simm.s32 $0x0;
	s9 =	simm.s32 $0x80;
	s10 =	simm.s32 $0x400  }
0x4: {  	s11 =	simm.s32 $0x6000;
	s5 =	sand.u32 $0x1, s1;
	s6 =	sshll.u32 s0, $0x1  }
0x5: {  	s12 =	simm.s32 $0x0;
	s1 =	rddreg [dreg:$0x2];
	s6 =	sor.u32 s5, s6  }
0x6: {  	[smem:$0x7FF] =	sst s3;
	s5 =	ssub.s32 $0x2, s5;
	s7 =	smul.u32 $0xC00, s6  }
0x7: {  	_ =	strace $0x8000004A;
	s8 =	sshrl.u32 s5, $0x1;
	s6 =	smul.u32 $0x30000, s6  }
0x8: {  	s8 =	ssub.s32 s5, s8;
	s7 =	sadd.s32 s7, s4;
	s4 =	sadd.s32 $0x18E00, s4  }
0x9: {  	s5 =	sadd.s32 $0xE00, s7;
	s7 =	smax.u32 s8, $0x1;
	s8 =	simm.s32 $0x1  }
.LBB2_1:
0xa: {  	[tilespmem:s3], [sflag:$0x1] =	stream.linear.gather [hbm4b:s5+s3], $0x6000, $0x38;
	[tilespmem:$0xC000] =	vst v63  }
0xb: {  	_ =	swait.ge [sflag:s8], $0x6000  }
0xc: {  	[sflag:s8] =	ssyncset.done $0x0  }
0xd: {  	s13 =	simm.s32 $0x0;
	[sflag:s8] =	ssyncadd.s32 $0xFFFFA000  }
.LBB2_2:
0xe: {  	s14 =	sshrl.u32 s13, $0x3  }
0xf: {  	s14 =	smul.u32 $0x600000, s14  }
0x10: {  	s15 =	sshll.u32 s13, $0x7  }
0x11: {  	s15 =	sand.u32 $0x380, s15;
	s14 =	sadd.s32 s6, s14  }
0x12: {  	s14 =	sor.u32 s15, s14  }
0x13: {  	s14 =	sshrl.u32 s14, $0x3  }
0x14: {  	s31 =	sadd.s32 s2, s14  }
0x15: {  	[tilespmem:s11], [sflag:$0x1] =	stream.strided.gather [hbm4b:s31+s9], $0x6000, s10, s9, $0x38;
	[tilespmem:$0xC000] =	vst v63  }
0x16: {  	_ =	swait.ge [sflag:s8], $0x6000  }
0x17: {  	[sflag:s8] =	ssyncset.done $0x0  }
0x18: {  	s15 =	simm.s32 $0x0;
	[sflag:s8] =	ssyncadd.s32 $0xFFFFA000  }
0x19: {  	v7 =	vld [tilespmem:s15+$0x0]  }
0x1a: {  	v11 =	vld [tilespmem:s15+$0x10]  }
0x1b: {  	v5 =	vld [tilespmem:s15+$0x20]  }
0x1c: {  	v4 =	vld [tilespmem:s15+$0x30]  }
0x1d: {  	v3 =	vld [tilespmem:s15+$0x40]  }
0x1e: {  	v2 =	vld [tilespmem:s15+$0x50]  }
0x1f: {  	v1 =	vld [tilespmem:s15+$0x60]  }
0x20: {  	v0 =	vld [tilespmem:s15+$0x70]  }
0x21: {  	v12 =	vld [tilespmem:s15+$0x6000]  }
0x22: {  	v13 =	vld [tilespmem:s15+$0x6010]  }
0x23: {  	v10 =	vld [tilespmem:s15+$0x6020]  }
0x24: {  	v9 =	vld [tilespmem:s15+$0x6030]  }
0x25: {  	v8 =	vld [tilespmem:s15+$0x6040]  }
0x26: {  	v6 =	vld [tilespmem:s15+$0x6050];
	v12 =	vadd.f32 v7, v12  }
0x27: {  	s16 =	simm.s32 $0x200;
	v11 =	vadd.f32 v11, v13;
	v7 =	vld [tilespmem:s15+$0x6060]  }
.LBB2_3:
0x28: {  	s17 =	sshra.s32 s16, $0x2;
	p0 =	sne.s32 s16, $0x17E00;
	[tilespmem:s15+$0x6000] =	vst v12;
	v5 =	vadd.f32 v5, v10;
	v10 =	vld [tilespmem:s15+$0x6070]  }
0x29: {  	v12 =	vld [tilespmem:s17+$0x0];
	[tilespmem:s15+$0x6010] =	vst v11;
	v4 =	vadd.f32 v4, v9  }
0x2a: {  	v11 =	vld [tilespmem:s17+$0x10];
	[tilespmem:s15+$0x6020] =	vst v5;
	v3 =	vadd.f32 v3, v8  }
0x2b: {  	v5 =	vld [tilespmem:s17+$0x20];
	[tilespmem:s15+$0x6030] =	vst v4;
	v2 =	vadd.f32 v2, v6  }
0x2c: {  	v4 =	vld [tilespmem:s17+$0x30];
	[tilespmem:s15+$0x6040] =	vst v3;
	v1 =	vadd.f32 v1, v7  }
0x2d: {  	v3 =	vld [tilespmem:s17+$0x40];
	[tilespmem:s15+$0x6050] =	vst v2;
	v0 =	vadd.f32 v0, v10  }
0x2e: {  	v2 =	vld [tilespmem:s17+$0x50];
	[tilespmem:s15+$0x6060] =	vst v1  }
0x2f: {  	v1 =	vld [tilespmem:s17+$0x60];
	[tilespmem:s15+$0x6070] =	vst v0;
	s15 =	smov.u32 s17  }
0x30: {  	v0 =	vld [tilespmem:s15+$0x70]  }
0x31: {  	v6 =	vld [tilespmem:s15+$0x6000]  }
0x32: {  	v7 =	vld [tilespmem:s15+$0x6010]  }
.Ltmp0:
0x33: {  	v10 =	vld [tilespmem:s15+$0x6020];
	(pc) =	sbr.rel @p0 .LBB2_3-.Ltmp0, $4  }
0x34: {  	v9 =	vld [tilespmem:s15+$0x6030]  }
0x35: {  	v8 =	vld [tilespmem:s15+$0x6040]  }
0x36: {  	v12 =	vadd.f32 v12, v6;
	v6 =	vld [tilespmem:s15+$0x6050]  }
0x37: {  	s16 =	sadd.s32 $0x200, s16;
	v11 =	vadd.f32 v11, v7;
	v7 =	vld [tilespmem:s15+$0x6060]  }
0x38: {  	[tilespmem:s15+$0x6000] =	vst v12;
	v5 =	vadd.f32 v5, v10;
	v63 =	vld [tilespmem:s15+$0x6070]  }
0x39: {  	[tilespmem:s15+$0x6010] =	vst v11;
	v4 =	vadd.f32 v4, v9  }
0x3a: {  	[tilespmem:s15+$0x6020] =	vst v5;
	v3 =	vadd.f32 v3, v8  }
0x3b: {  	[tilespmem:s15+$0x6030] =	vst v4;
	v2 =	vadd.f32 v2, v6  }
0x3c: {  	[tilespmem:s15+$0x6040] =	vst v3;
	v1 =	vadd.f32 v1, v7  }
0x3d: {  	s13 =	sadd.s32 $0x1, s13;
	[tilespmem:s15+$0x6050] =	vst v2;
	v0 =	vadd.f32 v0, v63  }
0x3e: {  	p0 =	sne.s32 s13, $0x40;
	[tilespmem:s15+$0x6060] =	vst v1  }
.Ltmp1:
0x3f: {  	s14 =	sadd.s32 s4, s14;
	[tilespmem:s15+$0x6070] =	vst v0;
	(pc) =	sbr.rel @p0 .LBB2_2-.Ltmp1, $4  }
0x40: {  	[hbm4b:s14+s9] =	stream.strided.scatter [tilespmem:s11], [sflag:$0x1], $0x6000, s10, s9, $0x38;
	[tilespmem:$0xC000] =	vst v63  }
0x41: {  	_ =	swait.ge [sflag:s8], $0x6000  }
0x42: {  	[sflag:s8] =	ssyncset.done $0x0  }
0x43: {  	[sflag:s8] =	ssyncadd.s32 $0xFFFFA000  }
0x44: {  	s12 =	sadd.s32 $0x1, s12  }
0x45: {  	p0 =	sne.s32 s12, s7  }
.Ltmp2:
0x46: {  	_ = 	snop;
	(pc) =	sbr.rel @p0 .LBB2_1-.Ltmp2, $1  }
0x47: {  	_ =	sdelay $0x3  }
0x48: {  	_ =	sfence.sel $0x180000  }
0x49: {  	[bflag:$0x0] =	sbarrier.arrive $0xFFFF  }
0x4a: {  	p0 =	sne.s32 s0, $0x0;
	_ =	strace $0x9000004A  }
0x4b: {  	s0 =	sadd.s32 @!p0 $0x100000, s1;
	[bflag:$0x2] =	sbarrier.arrive $0xFFFF  }
0x4c: {  	[sflag:s0] =	ssyncadd.tile.s32 @!p0 $0x1;
	_ =	shalt  }
.Lfunc_end2:
_tile_overlayer_lowered:
.L_overlay_start_2:
0x4d: {  	(tag) =	ssettag $0x2  }
0x4e: {  	s0 =	rddreg [dreg:$0x0];
	s2 =	stileid.u32  }
0x4f: {  	s1 =	rddreg [dreg:$0x1];
	p0 =	sne.s32 s2, $0x0  }
0x50: {  	s3 =	rddreg [dreg:$0x2];
	[bflag:$0x3] =	sbarrier.arrive $0xFFFF;
	s2 =	simm.s32 @!p0 $0x1C01  }
0x51: {  	[timem:s3], [sflag:s2] =	dma.local @!p0 [hbm:s0], s1  }
0x52: {  	s0 =	simm.s32 @!p0 $0x1  }
0x53: {  	_ =	swait.ge @!p0 [sflag:s0], s1  }
0x54: {  	s1 =	ssub.s32 @!p0 $0x0, s1;
	[sflag:s0] =	ssyncset.done @!p0 $0x0  }
0x55: {  	[sflag:s0] =	ssyncadd.s32 @!p0 s1  }
0x56: {  	[bflag:$0x3] =	sbarrier.arrive $0xFFFF  }
0x57: {  	_ =	shalt  }

// kernel: sparse-core-data-format-call.1.cloned.1.call-start
scs
called_computation.1_lowered:
.L_overlay_start_0:
0x0: {  	s2 =	sld [smem:$0x3FD9]  }
0x1: {  	s3 =	sld [smem:$0x3FFE];
	_ =	sdelay $0x1  }
0x2: {  	s1 =	srdreg.scid  }
0x3: {  	s0 =	sand.u32 $0x1, s1  }
0x4: {  	s19 =	sshll.u32 s0, $0xA;
	s2 =	sadd.s32 s3, s2  }
0x5: {  	s2 =	sadd.s32 s2, s19  }
0x6: {  	[smem:$0x3FC6] =	sst s2  }
0x7: {  	_ = 	snop  }
0x8: {  	s2 =	sld [smem:$0x3FC9]  }
0x9: {  	s20 =	sld [smem:$0x3FD0];
	(tm) =	ssettm $0x1  }
0xa: {  	s4 =	sld [smem:$0x3FFB];
	_ =	sdelay $0x3  }
0xb: {  	_ =	strace s4  }
0xc: {  	s4 =	sld [smem:$0x3FFC];
	_ =	sdelay $0x3  }
0xd: {  	_ =	strace s4  }
0xe: {  	s4 =	sld [smem:$0x3FFD];
	_ =	sdelay $0x3  }
0xf: {  	_ =	strace s4  }
0x10: {  	_ =	strace $0x8FFFFFFF  }
0x11: {  	s21 =	sld [smem:$0x3FDB];
	_ =	sdelay $0x1  }
0x12: {  	s5 =	simm.s32 $_scs_section_size  }
0x13: {  	s6 =	simm.s32 $_size__tile_overlayer_lowered;
	s7 =	simm.s32 $_tile_overlayer_lowered  }
0x14: {  	s24 =	simm.s32 $0x1BFF;
	s23 =	sshll.u32 s7, $0x1;
	s4 =	sadd.s32 s5, s21  }
0x15: {  	s8 =	simm.s32 $0x0;
	s22 =	sshll.u32 s6, $0x1;
	s6 =	sadd.s32 s23, s4  }
0x16: {  	[timem:s8], [sflag:s24] =	dma.local [hbm:s6], s22  }
0x17: {  	_ =	swait.ge [sflag:s24], s22  }
0x18: {  	s5 =	ssub.s32 $0x0, s22;
	[sflag:s24] =	ssyncset.done $0x0  }
0x19: {  	[sflag:s24] =	ssyncadd.s32 s5;
	_ =	sdelay $0x1  }
0x1a: {  	s25 =	simm.s32 $0x1B8B  }
0x1b: {  	_ =	swait.ge [sflag:s25], $0x1  }
0x1c: {  	[sflag:s25] =	ssyncset.done $0x0  }
0x1d: {  	s26 =	simm.s32 $0x1B8E;
	[sflag:s25] =	ssyncadd.s32 $0xFFFFFFFF  }
0x1e: {  	s27 =	simm.s32 $execute0_lowered;
	[smem:$0x3FD2] =	sst s26  }
0x1f: {  	s5 =	sshll.u32 s27, $0x1;
	_ =	strace $0x80000046;
	[dreg:$0x1] =	wrdreg $0xFFFFFFFF  }
0x20: {  	s28 =	simm.s32 $_size_execute0_lowered;
	s4 =	sadd.s32 s4, s5;
	[dreg:$0x0] =	wrdreg $0x0  }
0x21: {  	s5 =	sshll.u32 s28, $0x1;
	[dreg:$0x2] =	wrdreg s4  }
0x22: {  	[dreg:$0x3] =	wrdreg s5  }
0x23: {  	[dreg:$0x4] =	wrdreg $0xC0  }
0x24: {  	_ =	task [dreg:s8], $0x5FFFF  }
0x25: {  	[dreg:$0x1] =	wrdreg $0xFFFFFFFF  }
0x26: {  	[dreg:$0x0] =	wrdreg $0x60  }
0x27: {  	[dreg:$0x2] =	wrdreg s2  }
0x28: {  	[dreg:$0x3] =	wrdreg s20  }
0x29: {  	[dreg:$0x4] =	wrdreg $0x9  }
0x2a: {  	_ =	task.clear_ibuf [dreg:s8], $0x5FFFF;
	_ =	strace $0x90000046  }
0x2b: {  	s29 =	simm.s32 $0x9;
	_ =	strace $0x80000048  }
0x2c: {  	_ =	swait.ge [sflag:s29], $0x1  }
0x2d: {  	[sflag:s29] =	ssyncadd.s32 $0xFFFFFFFF  }
0x2e: {  	_ =	strace $0x90000048  }
0x2f: {  	_ =	sfence  }
0x30: {  	s30 =	sld [smem:$0x0];
	_ =	sdelay $0x2  }
0x31: {  	s31 =	sshll.u32 s1, $0xD;
	s1 =	sshrl.u32 s1, $0x2  }
0x32: {  	s3 =	sand.u32 $0x4000, s31;
	s1 =	sadd.s32 s1, s30  }
0x33: {  	s0 =	sor.u32 s3, s0;
	s1 =	sshll.u32 s1, $0x11  }
0x34: {  	s0 =	sor.u32 s1, s0  }
0x35: {  	s0 =	sadd.s32 $0x8F2B, s0  }
0x36: {  	[sflag:s0] =	ssyncadd.remote.s32 $0x1  }
0x37: {  	_ =	sfence.sel $0xFFFF  }
0x38: {  	[dreg:$0x0] =	wrdreg $0xFFFFFFFF;
	(pc) =	sbr.abs _section_cstart, $3  }
0x39: {  	[dreg:$0x1] =	wrdreg $0xFFFFFFFF  }
0x3a: {  	_ =	task.clear_ibuf [dreg:s8], $0x2FFFF;
	_ =	strace $0x9FFFFFFF  }
0x3b: {  	(tm) =	ssettm $0x7FFFFFFF  }
tec
execute0_lowered:
.L_overlay_start_1:
0x0: {  	(tag) =	ssettag $0x1  }
0x1: {  	s2 =	rddreg [dreg:$0x0]  }
0x2: {  	s3 =	rddreg [dreg:$0x1]  }
0x3: {  	s0 =	rddreg [dreg:$0x2]  }
0x4: {  	s1 =	srdreg.scid;
	_ =	strace $0x80000047;
	s7 =	simm.s32 $0x2  }
0x5: {  	s15 =	simm.s32 $0x0;
	p0 =	por $0x0, $0x0;
	s13 =	simm.s32 $0x0  }
0x6: {  	s16 =	simm.s32 $0x0;
	s14 =	simm.s32 $0x0;
	s9 =	simm.s32 $0x0  }
.Ltmp0:
0x7: {  	s10 =	simm.s32 $0x0;
	s4 =	sshll.u32 s1, $0x4;
	(pc) =	sbr.rel .LBB1_1-.Ltmp0, $4  }
0x8: {  	s1 =	stileid.u32;
	s5 =	sand.u32 $0x10, s4;
	s4 =	simm.s32 $0x1  }
0x9: {  	s8 =	simm.s32 $0x0;
	s6 =	sor.u32 s1, s5;
	[sflag:s4] =	ssyncpa.u1 $0x0  }
0xa: {  	s5 =	sand.u32 $0x7, s1;
	s6 =	sshrl.u32 s6, $0x3;
	[sflag:s7] =	ssyncpa.u1 $0x0  }
0xb: {  	s7 =	simm.s32 $0x1800;
	s12 =	smov.u32 s5;
	s11 =	smov.u32 s6  }
.LBB1_5:
0xc: {  	s17 =	sadd.s32 $0x80, s9  }
0xd: {  	s13 =	sadd.s32 $0x80, s10;
	s18 =	smov.u32 s10;
	p2 =	sgt.s32 s17, $0x2FF  }
0xe: {  	s18 =	smov.u32 @p2 s13  }
0xf: {  	s19 =	smov.u32 s11;
	s13 =	sadd.s32 $0x4, s11;
	p3 =	sgt.s32 s18, $0x3FF  }
0x10: {  	s19 =	smov.u32 @p3 s13  }
0x11: {  	s20 =	smov.u32 s12;
	s13 =	sadd.s32 $0x8, s12;
	p4 =	sgt.s32 s19, $0x7  }
0x12: {  	p1 =	slt.u32 s8, $0x2;
	s20 =	smov.u32 @p4 s13  }
0x13: {  	s8 =	sadd.s32 $0x1, s8;
	s17 =	simm.s32 @p2 $0x0;
	p2 =	sgt.s32 s20, $0x7  }
0x14: {  	s15 =	smov.u32 s9;
	s20 =	smov.u32 @p2 s5;
	p2 =	sne.s32 s8, $0x62  }
.Ltmp1:
0x15: {  	s16 =	smov.u32 s11;
	s21 =	simm.s32 @!p1 $0x2;
	(pc) =	sbr.rel @!p2 .LBB1_6-.Ltmp1, $4  }
0x16: {  	s14 =	smov.u32 s12;
	p0 =	por !p0, !p0;
	_ =	swait.ge @!p1 [sflag:s21], $0x4000  }
0x17: {  	[sflag:s21] =	ssyncset.done @!p1 $0x0;
	s9 =	smov.u32 s17;
	s18 =	simm.s32 @p3 $0x0  }
0x18: {  	[sflag:s21] =	ssyncadd.s32 @!p1 $0xFFFFC000;
	s19 =	smov.u32 @p4 s6;
	s13 =	smov.u32 s10  }
0x19: {  	s10 =	smov.u32 s18;
	s11 =	smov.u32 s19;
	s12 =	smov.u32 s20  }
.LBB1_1:
0x1a: {  	p1 =	sgt.u32 s8, $0x5F  }
0x1b: {  	s17 =	sshrl.u32 @!p1 s10, $0x3  }
0x1c: {  	s18 =	sshll.u32 @!p1 s9, $0x3;
	s17 =	smul.u32 @!p1 $0x1800, s17  }
0x1d: {  	s19 =	sshll.u32 @!p1 s10, $0x7;
	s18 =	sand.u32 @!p1 $0xFFFFFC00, s18  }
0x1e: {  	s17 =	sadd.s32 @!p1 s17, s18;
	s18 =	sand.u32 @!p1 $0x380, s19  }
0x1f: {  	s19 =	sand.u32 @!p1 $0x7F, s9;
	s17 =	sor.u32 @!p1 s18, s17  }
0x20: {  	s18 =	sor.u32 @!p1 s19, s17  }
0x21: {  	s19 =	smulhi.u32 @!p1 $0xAAAAAAAB, s18  }
0x22: {  	s17 =	smulhi.u32 @!p1 $0xAAAAAAAB, s17  }
0x23: {  	s21 =	smul.u32 @!p1 $0xC0000, s12;
	s19 =	sshrl.u32 @!p1 s19, $0x9  }
0x24: {  	s20 =	sxor.u32 @!p1 $0xFFFFFFFF, s8;
	s17 =	sshrl.u32 @!p1 s17, $0x9;
	s19 =	smul.u32 @!p1 $0x300, s19  }
0x25: {  	s22 =	smul.u32 @!p1 $0x18000, s11;
	s20 =	sshll.u32 @!p1 s20, $0xE;
	s17 =	sand.u32 @!p1 $0x3FF, s17  }
0x26: {  	s17 =	smul.u32 @!p1 $0x60, s17;
	s18 =	ssub.s32 @!p1 s18, s19;
	s19 =	sadd.s32 @!p1 s2, s21  }
0x27: {  	s20 =	sand.u32 @!p1 $0x4000, s20;
	s19 =	sadd.s32 @!p1 s22, s19;
	s21 =	sand.u32 @!p1 $0x7, s18  }
0x28: {  	s18 =	sshrl.u32 @!p1 s18, $0x3;
	s17 =	sadd.s32 @!p1 s17, s19;
	s19 =	sshll.u32 @!p1 s21, $0x12  }
0x29: {  	s17 =	sadd.s32 @!p1 s18, s17;
	s18 =	sor.u32 @!p1 $0x400, s19;
	s19 =	simm.s32 @!p1 $0x1800  }
0x2a: {  	[tilespmem:s20], [sflag:$0x1] =	stream.strided.gather @!p1 [hbm4b:s17+s18], $0x4000, s19, s18, $0x38;
	[tilespmem:$0x10000] =	vst v63  }
0x2b: {  	p1 =	seq.s32 s8, $0x0  }
0x2c: {  	p2 =	seq.s32 @!p1 s8, $0x61  }
0x2d: {  	p1 =	por p1, p2  }
.Ltmp2:
0x2e: {  	_ = 	snop;
	(pc) =	sbr.rel @p1 .LBB1_5-.Ltmp2, $1  }
0x2f: {  	_ =	sdelay $0x3  }
0x30: {  	s17 =	simm.s32 $0x1  }
0x31: {  	s17 =	simm.s32 @!p0 $0x0  }
0x32: {  	s17 =	sshll.u32 s17, $0xE  }
0x33: {  	s18 =	sor.u32 $0x40, s17  }
0x34: {  	v1 =	vmov s18;
	_ =	sdelay $0x1  }
0x35: {  	_ =	swait.ge [sflag:s4], $0x4000  }
0x36: {  	[sflag:s4] =	ssyncset.done $0x0  }
0x37: {  	s19 =	simm.s32 $0x0;
	[sflag:s4] =	ssyncadd.s32 $0xFFFFC000  }
0x38: {  	s17 =	sor.u32 $0x8070, s17;
	v6 =	vld.idx.msk [tilespmem:v1+s19+$0x30 ss:$0x1], $0xffff  }
0x39: {  	v0 =	vmov s17;
	v8 =	vld.idx.msk [tilespmem:v1+s19+$0xFFFFFFC0 ss:$0x1], $0xffff  }
0x3a: {  	v7 =	vld.idx.msk [tilespmem:v1+s19+$0xFFFFFFD0 ss:$0x1], $0xffff  }
0x3b: {  	v5 =	vld.idx.msk [tilespmem:v1+s19+$0xFFFFFFE0 ss:$0x1], $0xffff  }
0x3c: {  	v4 =	vld.idx.msk [tilespmem:v1+s19+$0xFFFFFFF0 ss:$0x1], $0xffff  }
0x3d: {  	s31 =	sshll.u32 s8, $0xE;
	v2 =	vld.idx.msk [tilespmem:v1+s19+$0x0 ss:$0x1], $0xffff  }
0x3e: {  	s17 =	sand.u32 $0x4000, s31;
	v3 =	vld.idx.msk [tilespmem:v1+s19+$0x10 ss:$0x1], $0xffff;
	[tilespmem:v0+s19+$0x0 ss:$0x1] =	vst.idx.msk $0xffff, v6  }
0x3f: {  	s20 =	simm.s32 $0x400;
	s18 =	simm.s32 $0x80;
	s17 =	sor.u32 $0x8000, s17;
	[tilespmem:v0+s19+$0xFFFFFF90 ss:$0x1] =	vst.idx.msk $0xffff, v8;
	v6 =	vld.idx.msk [tilespmem:v1+s19+$0x20 ss:$0x1], $0xffff  }
.LBB1_3:
0x40: {  	p1 =	sne.s32 s20, $0xFE00;
	v8 =	vld.idx.msk [tilespmem:v1+s18+$0x30 ss:$0x1], $0xffff;
	[tilespmem:v0+s19+$0xFFFFFFA0 ss:$0x1] =	vst.idx.msk $0xffff, v7  }
0x41: {  	v9 =	vld.idx.msk [tilespmem:v1+s18+$0xFFFFFFC0 ss:$0x1], $0xffff;
	[tilespmem:v0+s19+$0xFFFFFFB0 ss:$0x1] =	vst.idx.msk $0xffff, v5  }
0x42: {  	v7 =	vld.idx.msk [tilespmem:v1+s18+$0xFFFFFFD0 ss:$0x1], $0xffff;
	[tilespmem:v0+s19+$0xFFFFFFC0 ss:$0x1] =	vst.idx.msk $0xffff, v4  }
.Ltmp3:
0x43: {  	v5 =	vld.idx.msk [tilespmem:v1+s18+$0xFFFFFFE0 ss:$0x1], $0xffff;
	[tilespmem:v0+s19+$0xFFFFFFD0 ss:$0x1] =	vst.idx.msk $0xffff, v2;
	(pc) =	sbr.rel @p1 .LBB1_3-.Ltmp3, $4  }
0x44: {  	v4 =	vld.idx.msk [tilespmem:v1+s18+$0xFFFFFFF0 ss:$0x1], $0xffff;
	[tilespmem:v0+s19+$0xFFFFFFE0 ss:$0x1] =	vst.idx.msk $0xffff, v3  }
0x45: {  	v2 =	vld.idx.msk [tilespmem:v1+s18+$0x0 ss:$0x1], $0xffff;
	[tilespmem:v0+s19+$0xFFFFFFF0 ss:$0x1] =	vst.idx.msk $0xffff, v6;
	s19 =	smov.u32 s18  }
0x46: {  	v3 =	vld.idx.msk [tilespmem:v1+s19+$0x10 ss:$0x1], $0xffff;
	[tilespmem:v0+s19+$0x0 ss:$0x1] =	vst.idx.msk $0xffff, v8  }
0x47: {  	s18 =	sshra.s32 s20, $0x2;
	s20 =	sadd.s32 $0x200, s20;
	[tilespmem:v0+s19+$0xFFFFFF90 ss:$0x1] =	vst.idx.msk $0xffff, v9;
	v6 =	vld.idx.msk [tilespmem:v1+s19+$0x20 ss:$0x1], $0xffff  }
0x48: {  	_ =	sdelay $0x2  }
0x49: {  	s20 =	sshrl.u32 s16, $0x3  }
0x4a: {  	s21 =	sshll.u32 s15, $0x3;
	[tilespmem:v0+s19+$0xFFFFFFA0 ss:$0x1] =	vst.idx.msk $0xffff, v7;
	s20 =	smul.u32 $0x1800, s20  }
0x4b: {  	s27 =	sshll.u32 s16, $0x7;
	v56 =	vld.idx.msk [tilespmem:v1+s18+$0x30 ss:$0x1], $0xffff;
	[tilespmem:v0+s19+$0xFFFFFFB0 ss:$0x1] =	vst.idx.msk $0xffff, v5;
	s21 =	sand.u32 $0xFFFFFC00, s21  }
0x4c: {  	v57 =	vld.idx.msk [tilespmem:v1+s18+$0xFFFFFFC0 ss:$0x1], $0xffff;
	s16 =	sand.u32 $0x380, s27;
	[tilespmem:v0+s19+$0xFFFFFFC0 ss:$0x1] =	vst.idx.msk $0xffff, v4;
	s20 =	sadd.s32 s20, s21  }
0x4d: {  	s28 =	sand.u32 $0x7F, s15;
	v58 =	vld.idx.msk [tilespmem:v1+s18+$0xFFFFFFD0 ss:$0x1], $0xffff;
	[tilespmem:v0+s19+$0xFFFFFFD0 ss:$0x1] =	vst.idx.msk $0xffff, v2;
	s16 =	sor.u32 s16, s20  }
0x4e: {  	v59 =	vld.idx.msk [tilespmem:v1+s18+$0xFFFFFFE0 ss:$0x1], $0xffff;
	[tilespmem:v0+s19+$0xFFFFFFE0 ss:$0x1] =	vst.idx.msk $0xffff, v3;
	s15 =	sor.u32 s28, s16;
	s16 =	smulhi.u32 $0xAAAAAAAB, s16  }
0x4f: {  	v60 =	vld.idx.msk [tilespmem:v1+s18+$0xFFFFFFF0 ss:$0x1], $0xffff;
	[tilespmem:v0+s19+$0xFFFFFFF0 ss:$0x1] =	vst.idx.msk $0xffff, v6;
	s29 =	smulhi.u32 $0xAAAAAAAB, s15  }
0x50: {  	v61 =	vld.idx.msk [tilespmem:v1+s18+$0x0 ss:$0x1], $0xffff;
	s14 =	smul.u32 $0xC0000, s14;
	[tilespmem:v0+s18+$0x0 ss:$0x1] =	vst.idx.msk $0xffff, v56  }
0x51: {  	v62 =	vld.idx.msk [tilespmem:v1+s18+$0x10 ss:$0x1], $0xffff;
	s13 =	smul.u32 $0x300, s13;
	[tilespmem:v0+s18+$0xFFFFFF90 ss:$0x1] =	vst.idx.msk $0xffff, v57;
	s16 =	sshrl.u32 s16, $0x9;
	s30 =	sshrl.u32 s29, $0x9  }
0x52: {  	v63 =	vld.idx.msk [tilespmem:v1+s18+$0x20 ss:$0x1], $0xffff;
	[tilespmem:v0+s18+$0xFFFFFFA0 ss:$0x1] =	vst.idx.msk $0xffff, v58;
	s16 =	sand.u32 $0x7, s16;
	s19 =	smul.u32 $0x300, s30  }
0x53: {  	[tilespmem:v0+s18+$0xFFFFFFB0 ss:$0x1] =	vst.idx.msk $0xffff, v59;
	s16 =	smul.u32 $0x60, s16  }
.Ltmp4:
0x54: {  	s14 =	sadd.s32 s3, s14;
	[tilespmem:v0+s18+$0xFFFFFFC0 ss:$0x1] =	vst.idx.msk $0xffff, v60;
	s15 =	ssub.s32 s15, s19;
	(pc) =	sbr.rel .LBB1_5-.Ltmp4, $4  }
0x55: {  	s13 =	sadd.s32 s13, s14;
	[tilespmem:v0+s18+$0xFFFFFFD0 ss:$0x1] =	vst.idx.msk $0xffff, v61;
	s31 =	sand.u32 $0x7, s15  }
0x56: {  	[tilespmem:v0+s18+$0xFFFFFFE0 ss:$0x1] =	vst.idx.msk $0xffff, v62;
	s13 =	sadd.s32 s16, s13;
	s15 =	sshrl.u32 s15, $0x3;
	s14 =	sshll.u32 s31, $0x12  }
0x57: {  	[tilespmem:v0+s18+$0xFFFFFFF0 ss:$0x1] =	vst.idx.msk $0xffff, v63;
	s13 =	sadd.s32 s15, s13;
	s14 =	sor.u32 $0x80, s14  }
0x58: {  	[hbm4b:s13+s14] =	stream.strided.scatter [tilespmem:s17], [sflag:$0x2], $0x4000, s7, s14, $0x38;
	[tilespmem:$0x10000] =	vst v63  }
.LBB1_6:
0x59: {  	_ =	sfence.sel $0x180000  }
0x5a: {  	s2 =	simm.s32 $0x1;
	[bflag:$0x0] =	sbarrier.arrive $0xFFFF  }
0x5b: {  	s31 =	simm.s32 $0x2;
	[sflag:s2] =	ssyncpa.u1 $0x1  }
0x5c: {  	[sflag:s31] =	ssyncpa.u1 $0x1  }
0x5d: {  	p0 =	sne.s32 s1, $0x0;
	_ =	strace $0x90000047  }
0x5e: {  	s0 =	sadd.s32 @!p0 $0x100000, s0;
	[bflag:$0x2] =	sbarrier.arrive $0xFFFF  }
0x5f: {  	[sflag:s0] =	ssyncadd.tile.s32 @!p0 $0x1;
	_ =	shalt  }
.Lfunc_end1:
_tile_overlayer_lowered:
.L_overlay_start_2:
0x60: {  	(tag) =	ssettag $0x2  }
0x61: {  	s0 =	rddreg [dreg:$0x0];
	s2 =	stileid.u32  }
0x62: {  	s1 =	rddreg [dreg:$0x1];
	p0 =	sne.s32 s2, $0x0  }
0x63: {  	s3 =	rddreg [dreg:$0x2];
	[bflag:$0x3] =	sbarrier.arrive $0xFFFF;
	s2 =	simm.s32 @!p0 $0x1C01  }
0x64: {  	[timem:s3], [sflag:s2] =	dma.local @!p0 [hbm:s0], s1  }
0x65: {  	s0 =	simm.s32 @!p0 $0x1  }
0x66: {  	_ =	swait.ge @!p0 [sflag:s0], s1  }
0x67: {  	s1 =	ssub.s32 @!p0 $0x0, s1;
	[sflag:s0] =	ssyncset.done @!p0 $0x0  }
0x68: {  	[sflag:s0] =	ssyncadd.s32 @!p0 s1  }
0x69: {  	[bflag:$0x3] =	sbarrier.arrive $0xFFFF  }
0x6a: {  	_ =	shalt  }

// kernel: sparse-core-data-format-call.cloned.1.call-start
scs
called_computation_lowered:
.L_overlay_start_0:
0x0: {  	s2 =	sld [smem:$0x3FD9]  }
0x1: {  	s3 =	sld [smem:$0x3FFE];
	_ =	sdelay $0x1  }
0x2: {  	s1 =	srdreg.scid  }
0x3: {  	s0 =	sand.u32 $0x1, s1  }
0x4: {  	s18 =	sshll.u32 s0, $0xA;
	s2 =	sadd.s32 s3, s2  }
0x5: {  	s2 =	sadd.s32 s2, s18  }
0x6: {  	[smem:$0x3FC6] =	sst s2  }
0x7: {  	_ = 	snop  }
0x8: {  	s2 =	sld [smem:$0x3FD0];
	(tm) =	ssettm $0x1  }
0x9: {  	s19 =	sld [smem:$0x3FFB];
	_ =	sdelay $0x3  }
0xa: {  	_ =	strace s19  }
0xb: {  	s3 =	sld [smem:$0x3FFC];
	_ =	sdelay $0x3  }
0xc: {  	_ =	strace s3  }
0xd: {  	s3 =	sld [smem:$0x3FFD];
	_ =	sdelay $0x3  }
0xe: {  	_ =	strace s3  }
0xf: {  	_ =	strace $0x8FFFFFFF  }
0x10: {  	s20 =	sld [smem:$0x3FDB];
	_ =	sdelay $0x1  }
0x11: {  	s4 =	simm.s32 $_scs_section_size  }
0x12: {  	s5 =	simm.s32 $_size__tile_overlayer_lowered;
	s6 =	simm.s32 $_tile_overlayer_lowered  }
0x13: {  	s23 =	simm.s32 $0x1BFF;
	s22 =	sshll.u32 s6, $0x1;
	s3 =	sadd.s32 s4, s20  }
0x14: {  	s7 =	simm.s32 $0x0;
	s21 =	sshll.u32 s5, $0x1;
	s5 =	sadd.s32 s22, s3  }
0x15: {  	[timem:s7], [sflag:s23] =	dma.local [hbm:s5], s21  }
0x16: {  	_ =	swait.ge [sflag:s23], s21  }
0x17: {  	s4 =	ssub.s32 $0x0, s21;
	[sflag:s23] =	ssyncset.done $0x0  }
0x18: {  	[sflag:s23] =	ssyncadd.s32 s4;
	_ =	sdelay $0x1  }
0x19: {  	s24 =	simm.s32 $0x1B8B  }
0x1a: {  	_ =	swait.ge [sflag:s24], $0x1  }
0x1b: {  	[sflag:s24] =	ssyncset.done $0x0  }
0x1c: {  	s26 =	simm.s32 $0x1B8E;
	s25 =	sld [smem:$0x3FFE];
	[sflag:s24] =	ssyncadd.s32 $0xFFFFFFFF  }
0x1d: {  	s27 =	simm.s32 $execute0_lowered;
	[smem:$0x3FD2] =	sst s26  }
0x1e: {  	s5 =	sshll.u32 s27, $0x1;
	_ =	strace $0x8000004C;
	[dreg:$0x1] =	wrdreg $0xFFFFFFFF  }
0x1f: {  	s28 =	simm.s32 $_size_execute0_lowered;
	s3 =	sadd.s32 s3, s5;
	[dreg:$0x0] =	wrdreg $0x0  }
0x20: {  	s5 =	sshll.u32 s28, $0x1;
	[dreg:$0x2] =	wrdreg s3  }
0x21: {  	[dreg:$0x3] =	wrdreg s5  }
0x22: {  	[dreg:$0x4] =	wrdreg $0xC0  }
0x23: {  	_ =	task [dreg:s7], $0x5FFFF  }
0x24: {  	[dreg:$0x1] =	wrdreg $0xFFFFFFFF  }
0x25: {  	[dreg:$0x0] =	wrdreg $0x60  }
0x26: {  	[dreg:$0x2] =	wrdreg s25  }
0x27: {  	[dreg:$0x3] =	wrdreg s2  }
0x28: {  	[dreg:$0x4] =	wrdreg $0x9  }
0x29: {  	_ =	task.clear_ibuf [dreg:s7], $0x5FFFF;
	_ =	strace $0x9000004C  }
0x2a: {  	s29 =	simm.s32 $0x9;
	_ =	strace $0x8000004E  }
0x2b: {  	_ =	swait.ge [sflag:s29], $0x1  }
0x2c: {  	[sflag:s29] =	ssyncadd.s32 $0xFFFFFFFF  }
0x2d: {  	_ =	strace $0x9000004E  }
0x2e: {  	_ =	sfence  }
0x2f: {  	s30 =	sld [smem:$0x0];
	_ =	sdelay $0x2  }
0x30: {  	s31 =	sshll.u32 s1, $0xD;
	s1 =	sshrl.u32 s1, $0x2  }
0x31: {  	s3 =	sand.u32 $0x4000, s31;
	s1 =	sadd.s32 s1, s30  }
0x32: {  	s0 =	sor.u32 s3, s0;
	s1 =	sshll.u32 s1, $0x11  }
0x33: {  	s0 =	sor.u32 s1, s0  }
0x34: {  	s0 =	sadd.s32 $0x8F2B, s0  }
0x35: {  	[sflag:s0] =	ssyncadd.remote.s32 $0x1  }
0x36: {  	_ =	sfence.sel $0xFFFF  }
0x37: {  	[dreg:$0x0] =	wrdreg $0xFFFFFFFF;
	(pc) =	sbr.abs _section_cstart, $3  }
0x38: {  	[dreg:$0x1] =	wrdreg $0xFFFFFFFF  }
0x39: {  	_ =	task.clear_ibuf [dreg:s7], $0x2FFFF;
	_ =	strace $0x9FFFFFFF  }
0x3a: {  	(tm) =	ssettm $0x7FFFFFFF  }
0x3b: {  	_ =	shalt  }
tec
execute0_lowered:
.L_overlay_start_1:
0x0: {  	(tag) =	ssettag $0x1  }
0x1: {  	s0 =	srdreg.scid  }
0x2: {  	s7 =	stileid.u32;
	s6 =	rddreg [dreg:$0x0]  }
0x3: {  	s3 =	rddreg [dreg:$0x1];
	_ =	strace $0x8000004D;
	s0 =	sshll.u32 s0, $0x4  }
0x4: {  	s4 =	simm.s32 $0x1;
	s31 =	simm.s32 $0x2;
	s0 =	sor.u32 s7, s0  }
0x5: {  	s17 =	simm.s32 $0x0;
	s9 =	simm.s32 $0xC0000;
	s2 =	sand.u32 $0x18, s0  }
0x6: {  	s10 =	simm.s32 $0x0;
	s16 =	simm.s32 $0x0;
	s0 =	ssub.s32 $0x400, s2  }
0x7: {  	s19 =	simm.s32 $0x0;
	s18 =	simm.s32 $0x0;
	s1 =	sand.u32 $0x18, s0  }
0x8: {  	s11 =	simm.s32 $0x0;
	p0 =	sne.s32 s1, $0x0;
	s1 =	simm.s32 $0x1  }
.Ltmp0:
0x9: {  	s0 =	sshrl.u32 s0, $0x5;
	s1 =	simm.s32 @!p0 $0x0;
	(pc) =	sbr.rel .LBB1_1-.Ltmp0, $4  }
0xa: {  	s12 =	simm.s32 $0x0;
	s15 =	simm.s32 $0x0;
	s0 =	sadd.s32 s1, s0  }
0xb: {  	s25 =	simm.s32 $0x0;
	[sflag:s4] =	ssyncpa.u1 $0x0;
	s5 =	smul.u32 $0x3, s0  }
0xc: {  	s6 =	sadd.s32 $0x18E00, s6;
	s7 =	sand.u32 $0x7, s7;
	[sflag:s31] =	ssyncpa.u1 $0x0  }
0xd: {  	s14 =	smov.u32 s7;
	s13 =	smov.u32 s2;
	s8 =	sadd.s32 $0x1, s5  }
.LBB1_7:
0xe: {  	s0 =	sadd.s32 $0x100, s11  }
0xf: {  	s1 =	sadd.s32 $0x8, s12;
	s20 =	smov.u32 s12;
	p1 =	sgt.s32 s0, $0x2FF  }
0x10: {  	s20 =	smov.u32 @p1 s1  }
0x11: {  	s21 =	smov.u32 s13;
	s1 =	sadd.s32 $0x20, s13;
	p2 =	sgt.s32 s20, $0x7  }
0x12: {  	s21 =	smov.u32 @p2 s1  }
0x13: {  	s22 =	smov.u32 s14;
	s1 =	sadd.s32 $0x8, s14;
	p3 =	sgt.s32 s21, $0x3FF  }
0x14: {  	p0 =	slt.u32 s15, $0x2;
	s22 =	smov.u32 @p3 s1  }
0x15: {  	s17 =	smov.u32 s11;
	s0 =	simm.s32 @p1 $0x0;
	p1 =	sgt.s32 s22, $0x7  }
0x16: {  	s16 =	smov.u32 s12;
	s22 =	smov.u32 @p1 s7;
	p1 =	sne.s32 s15, s8  }
.Ltmp1:
0x17: {  	s19 =	smov.u32 s13;
	s18 =	smov.u32 s14;
	(pc) =	sbr.rel @!p1 .LBB1_8-.Ltmp1, $4  }
0x18: {  	s10 =	sadd.s32 $0x4000, s10;
	s11 =	smov.u32 s0;
	s1 =	simm.s32 @!p0 $0x2  }
0x19: {  	s20 =	simm.s32 @p2 $0x0;
	s21 =	smov.u32 @p3 s2;
	_ =	swait.ge @!p0 [sflag:s1], $0x4000  }
0x1a: {  	s12 =	smov.u32 s20;
	s13 =	smov.u32 s21;
	[sflag:s1] =	ssyncset.done @!p0 $0x0  }
0x1b: {  	s15 =	sadd.s32 $0x1, s15;
	[sflag:s1] =	ssyncadd.s32 @!p0 $0xFFFFC000;
	s14 =	smov.u32 s22  }
.LBB1_1:
0x1c: {  	p0 =	sge.u32 s15, s5  }
0x1d: {  	s0 =	sshrl.u32 @!p0 s12, $0x3  }
0x1e: {  	s1 =	sshll.u32 @!p0 s11, $0x3;
	s0 =	smul.u32 @!p0 $0x1800, s0  }
0x1f: {  	s20 =	sshll.u32 @!p0 s12, $0x7;
	s1 =	sand.u32 @!p0 $0xFFFFFC00, s1  }
0x20: {  	s0 =	sadd.s32 @!p0 s0, s1;
	s1 =	sand.u32 @!p0 $0x380, s20  }
0x21: {  	s20 =	sand.u32 @!p0 $0x7F, s11;
	s0 =	sor.u32 @!p0 s1, s0  }
0x22: {  	s1 =	sor.u32 @!p0 s20, s0  }
0x23: {  	s20 =	smulhi.u32 @!p0 $0xAAAAAAAB, s1  }
0x24: {  	s0 =	smulhi.u32 @!p0 $0xAAAAAAAB, s0  }
0x25: {  	s31 =	sadd.s32 $0xFFFFFFFF, s15;
	s22 =	smul.u32 @!p0 $0xC0000, s14;
	s20 =	sshrl.u32 @!p0 s20, $0x9  }
0x26: {  	s21 =	sxor.u32 @!p0 $0xFFFFFFFF, s15;
	s0 =	sshrl.u32 @!p0 s0, $0x9;
	s20 =	smul.u32 @!p0 $0x300, s20  }
0x27: {  	s23 =	smul.u32 @!p0 $0x300, s13;
	s21 =	sshll.u32 @!p0 s21, $0xE;
	s0 =	sand.u32 @!p0 $0x7, s0  }
0x28: {  	s0 =	smul.u32 @!p0 $0x60, s0;
	s1 =	ssub.s32 @!p0 s1, s20;
	s20 =	sadd.s32 @!p0 s6, s22  }
0x29: {  	s21 =	sand.u32 @!p0 $0x4000, s21;
	s20 =	sadd.s32 @!p0 s23, s20;
	s22 =	sand.u32 @!p0 $0x7, s1  }
0x2a: {  	s1 =	sshrl.u32 @!p0 s1, $0x3;
	s0 =	sadd.s32 @!p0 s0, s20;
	s20 =	sshll.u32 @!p0 s22, $0x12  }
0x2b: {  	s0 =	sadd.s32 @!p0 s1, s0;
	s1 =	sor.u32 @!p0 $0x800, s20;
	s20 =	simm.s32 @!p0 $0x1800  }
0x2c: {  	[tilespmem:s21], [sflag:$0x1] =	stream.strided.gather @!p0 [hbm4b:s0+s1], $0x4000, s20, s1, $0x38;
	[tilespmem:$0x10000] =	vst v63  }
0x2d: {  	p0 =	sge.u32 s31, s5  }
.Ltmp2:
0x2e: {  	_ = 	snop;
	(pc) =	sbr.rel @p0 .LBB1_7-.Ltmp2, $1  }
0x2f: {  	_ =	sdelay $0x3  }
0x30: {  	s0 =	sshll.u32 s10, $0x2;
	_ =	swait.ge [sflag:s4], $0x4000;
	s1 =	sshll.u32 s15, $0xE  }
0x31: {  	p0 =	por $0x0, $0x0;
	s26 =	simm.s32 $0x0;
	s27 =	simm.s32 $0x0  }
0x32: {  	s0 =	sand.u32 $0x10000, s0;
	[sflag:s4] =	ssyncset.done $0x0;
	s23 =	sand.u32 $0x4000, s1  }
0x33: {  	s0 =	sshrl.u32 s0, $0x2;
	[sflag:s4] =	ssyncadd.s32 $0xFFFFC000;
	s20 =	sor.u32 $0x8000, s23  }
0x34: {  	s21 =	sor.u32 $0x40, s0;
	s22 =	sor.u32 $0x8410, s0;
	s24 =	sadd.s32 $0x8400, s0  }
.LBB1_3:
0x35: {  	v1 =	vld [tilespmem:s21+$0xFFFFFFD0]  }
0x36: {  	v2 =	vld [tilespmem:s21+$0x430]  }
0x37: {  	s0 =	sshll.u32 s27, $0xB;
	v4 =	vld [tilespmem:s21+$0xFFFFFFE0]  }
0x38: {  	v7 =	vld [tilespmem:s21+$0xFFFFFFF0];
	v0 =	vmov s0  }
0x39: {  	v8 =	vld [tilespmem:s21+$0x0]  }
0x3a: {  	v9 =	vld [tilespmem:s21+$0x10];
	s0 =	sand.u32 $0x300, s25  }
0x3b: {  	s1 =	sand.u32 $0x80, s25;
	v10 =	vld [tilespmem:s21+$0x20];
	s0 =	sadd.s32 s0, s23  }
0x3c: {  	v11 =	vld [tilespmem:s21+$0x30];
	s0 =	sadd.s32 s1, s0;
	s1 =	simm.s32 $0x1;
	[tilespmem:s22+$0x60] =	vst v2  }
0x3d: {  	s1 =	simm.s32 @!p0 $0x0;
	[tilespmem:s22+$0xFFFFFC00] =	vst v1;
	v3 =	vld.idx.msk [tilespmem:v0+s0+$0x400 ss:$0x1], $0xffff;
	s0 =	sshll.u32 s26, $0x2  }
0x3e: {  	v6 =	vld [tilespmem:s21+$0x3D0];
	s1 =	sshll.u32 s1, $0x9;
	[tilespmem:s22+$0xFFFFFC10] =	vst v4;
	s0 =	sand.u32 $0xFFFFFC00, s0  }
0x3f: {  	v5 =	vld [tilespmem:s21+$0x3E0];
	[tilespmem:s22+$0xFFFFFC20] =	vst v7;
	s0 =	sor.u32 s1, s0  }
0x40: {  	[tilespmem:s22+$0xFFFFFC30] =	vst v8;
	v4 =	vld [tilespmem:s21+$0x400];
	s0 =	sshrl.u32 s0, $0x2  }
0x41: {  	[tilespmem:s22+$0xFFFFFC40] =	vst v9;
	v1 =	vld [tilespmem:s21+$0x410];
	s28 =	sadd.s32 s0, s24  }
0x42: {  	[tilespmem:s28+$0x0] =	vst v3;
	v3 =	vld [tilespmem:s21+$0x3F0]  }
0x43: {  	s31 =	simm.s32 $0x100;
	[tilespmem:s22+$0xFFFFFC50] =	vst v10;
	v2 =	vld [tilespmem:s21+$0x420];
	s1 =	simm.s32 $0x80  }
0x44: {  	s29 =	sadd.s32 $0x80, s21;
	s30 =	smov.u32 s22;
	v7 =	vld [tilespmem:s21+$0xFFFFFFC0];
	[tilespmem:s22+$0xFFFFFC60] =	vst v11;
	s0 =	sand.u32 $0x300, s1  }
.LBB1_4:
0x45: {  	p1 =	sne.s32 s31, $0x380;
	v8 =	vld [tilespmem:s29+$0xFFFFFFD0];
	s1 =	sand.u32 $0x80, s1;
	s0 =	sadd.s32 s0, s23;
	[tilespmem:s30+$0x0] =	vst v6  }
0x46: {  	s0 =	sadd.s32 s1, s0;
	v6 =	vld [tilespmem:s29+$0x430];
	[tilespmem:s30+$0x10] =	vst v5;
	s1 =	smov.u32 s31  }
0x47: {  	v5 =	vld.idx.msk [tilespmem:v0+s0+$0x400 ss:$0x1], $0xffff;
	[tilespmem:s30+$0x20] =	vst v3  }
0x48: {  	v3 =	vld [tilespmem:s29+$0xFFFFFFE0];
	[tilespmem:s30+$0x30] =	vst v4  }
0x49: {  	v4 =	vld [tilespmem:s29+$0xFFFFFFF0];
	[tilespmem:s30+$0xFFFFFBF0] =	vst v7  }
0x4a: {  	v7 =	vld [tilespmem:s29+$0x0];
	[tilespmem:s30+$0x40] =	vst v1  }
0x4b: {  	v1 =	vld [tilespmem:s29+$0x10];
	[tilespmem:s30+$0x50] =	vst v2;
	s30 =	sadd.s32 $0x800, s30  }
0x4c: {  	s28 =	sadd.s32 $0x800, s28;
	v2 =	vld [tilespmem:s29+$0x20];
	[tilespmem:s30+$0x60] =	vst v6  }
0x4d: {  	v9 =	vld [tilespmem:s29+$0x30];
	[tilespmem:s28+$0x0] =	vst v5  }
0x4e: {  	[tilespmem:s30+$0xFFFFFC00] =	vst v8;
	v6 =	vld [tilespmem:s29+$0x3D0]  }
0x4f: {  	[tilespmem:s30+$0xFFFFFC10] =	vst v3;
	v5 =	vld [tilespmem:s29+$0x3E0]  }
.Ltmp3:
0x50: {  	[tilespmem:s30+$0xFFFFFC20] =	vst v4;
	v3 =	vld [tilespmem:s29+$0x3F0];
	(pc) =	sbr.rel @p1 .LBB1_4-.Ltmp3, $4  }
0x51: {  	[tilespmem:s30+$0xFFFFFC30] =	vst v7;
	v4 =	vld [tilespmem:s29+$0x400]  }
0x52: {  	[tilespmem:s30+$0xFFFFFC40] =	vst v1;
	v1 =	vld [tilespmem:s29+$0x410]  }
0x53: {  	[tilespmem:s30+$0xFFFFFC50] =	vst v2;
	v2 =	vld [tilespmem:s29+$0x420]  }
0x54: {  	s31 =	sadd.s32 $0x80, s31;
	s0 =	sand.u32 $0x300, s1;
	v7 =	vld [tilespmem:s29+$0xFFFFFFC0];
	[tilespmem:s30+$0xFFFFFC60] =	vst v9;
	s29 =	sadd.s32 $0x80, s29  }
0x55: {  	[tilespmem:s30+$0x0] =	vst v6  }
0x56: {  	[tilespmem:s30+$0x10] =	vst v5  }
0x57: {  	v49 =	vld [tilespmem:s29+$0x430];
	[tilespmem:s30+$0x20] =	vst v3  }
0x58: {  	v50 =	vld [tilespmem:s29+$0xFFFFFFD0];
	[tilespmem:s30+$0x30] =	vst v4  }
0x59: {  	v51 =	vld [tilespmem:s29+$0xFFFFFFE0];
	[tilespmem:s30+$0x40] =	vst v1  }
0x5a: {  	v52 =	vld [tilespmem:s29+$0xFFFFFFF0];
	[tilespmem:s30+$0x50] =	vst v2  }
0x5b: {  	v53 =	vld [tilespmem:s29+$0x0];
	[tilespmem:s30+$0xFFFFFBF0] =	vst v7;
	s30 =	sadd.s32 $0x800, s30  }
0x5c: {  	v54 =	vld [tilespmem:s29+$0x10];
	[tilespmem:s30+$0x60] =	vst v49  }
0x5d: {  	v55 =	vld [tilespmem:s29+$0x20];
	[tilespmem:s30+$0xFFFFFC00] =	vst v50  }
0x5e: {  	v56 =	vld [tilespmem:s29+$0x30];
	[tilespmem:s30+$0xFFFFFC10] =	vst v51  }
0x5f: {  	v57 =	vld [tilespmem:s29+$0x3D0];
	[tilespmem:s30+$0xFFFFFC20] =	vst v52  }
0x60: {  	v58 =	vld [tilespmem:s29+$0x3E0];
	[tilespmem:s30+$0xFFFFFC30] =	vst v53  }
0x61: {  	v59 =	vld [tilespmem:s29+$0x3F0];
	[tilespmem:s30+$0xFFFFFC40] =	vst v54  }
0x62: {  	v60 =	vld [tilespmem:s29+$0x400];
	[tilespmem:s30+$0xFFFFFC50] =	vst v55  }
0x63: {  	v61 =	vld [tilespmem:s29+$0xFFFFFFC0];
	[tilespmem:s30+$0xFFFFFC60] =	vst v56  }
0x64: {  	s1 =	sand.u32 $0x80, s1;
	s0 =	sadd.s32 s0, s23;
	v62 =	vld [tilespmem:s29+$0x410];
	[tilespmem:s30+$0x0] =	vst v57  }
0x65: {  	v63 =	vld [tilespmem:s29+$0x420];
	s27 =	sadd.s32 $0x1, s27;
	s0 =	sadd.s32 s1, s0;
	[tilespmem:s30+$0x10] =	vst v58  }
0x66: {  	p1 =	sne.s32 s27, $0x8;
	v0 =	vld.idx.msk [tilespmem:v0+s0+$0x400 ss:$0x1], $0xffff;
	[tilespmem:s30+$0x20] =	vst v59  }
.Ltmp4:
0x67: {  	[tilespmem:s30+$0x30] =	vst v60;
	(pc) =	sbr.rel @p1 .LBB1_3-.Ltmp4, $4  }
0x68: {  	[tilespmem:s30+$0xFFFFFBF0] =	vst v61  }
0x69: {  	[tilespmem:s30+$0x40] =	vst v62  }
0x6a: {  	s31 =	sadd.s32 $0x800, s28;
	s21 =	sadd.s32 $0x800, s21;
	[tilespmem:s30+$0x50] =	vst v63  }
0x6b: {  	s26 =	sadd.s32 $0x80, s26;
	p0 =	por !p0, !p0;
	s22 =	sadd.s32 $0x80, s22;
	[tilespmem:s31+$0x0] =	vst v0  }
0x6c: {  	s0 =	sshrl.u32 s19, $0x3  }
0x6d: {  	s1 =	sshll.u32 s17, $0x3;
	s0 =	smul.u32 $0x1800, s0  }
0x6e: {  	s24 =	sshll.u32 s19, $0x7;
	s1 =	sand.u32 $0xFFFFFC00, s1  }
0x6f: {  	s26 =	sand.u32 $0x380, s24;
	s0 =	sadd.s32 s0, s1  }
0x70: {  	s27 =	sand.u32 $0x7F, s17;
	s0 =	sor.u32 s26, s0  }
0x71: {  	s1 =	sor.u32 s27, s0;
	s0 =	smulhi.u32 $0xAAAAAAAB, s0  }
0x72: {  	s17 =	smulhi.u32 $0xAAAAAAAB, s1  }
0x73: {  	s18 =	smul.u32 $0xC0000, s18  }
0x74: {  	s16 =	smul.u32 $0x18000, s16;
	s0 =	sshrl.u32 s0, $0x9;
	s17 =	sshrl.u32 s17, $0x9  }
0x75: {  	s0 =	sand.u32 $0x3FF, s0;
	s17 =	smul.u32 $0x300, s17  }
0x76: {  	s0 =	smul.u32 $0x60, s0  }
.Ltmp5:
0x77: {  	s28 =	sadd.s32 s3, s18;
	s1 =	ssub.s32 s1, s17;
	(pc) =	sbr.rel .LBB1_7-.Ltmp5, $4  }
0x78: {  	s16 =	sadd.s32 s16, s28;
	s29 =	sand.u32 $0x7, s1  }
0x79: {  	s0 =	sadd.s32 s0, s16;
	s1 =	sshrl.u32 s1, $0x3;
	s30 =	sshll.u32 s29, $0x12  }
0x7a: {  	s0 =	sadd.s32 s1, s0;
	s31 =	sor.u32 $0x800, s30  }
0x7b: {  	[hbm4b:s0+s31] =	stream.strided.scatter [tilespmem:s20], [sflag:$0x2], $0x4000, s9, s31, $0x38;
	[tilespmem:$0x10000] =	vst v63  }
.LBB1_8:
0x7c: {  	_ =	sfence.sel $0x180000  }
0x7d: {  	s0 =	simm.s32 $0x1;
	[bflag:$0x0] =	sbarrier.arrive $0xFFFF  }
0x7e: {  	s30 =	simm.s32 $0x2;
	[sflag:s0] =	ssyncpa.u1 $0x1  }
0x7f: {  	[sflag:s30] =	ssyncpa.u1 $0x1  }
0x80: {  	_ =	strace $0x9000004D  }
0x81: {  	s31 =	stileid.u32;
	[bflag:$0x2] =	sbarrier.arrive $0xFFFF  }
0x82: {  	p0 =	sne.s32 s31, $0x0;
	s0 =	rddreg [dreg:$0x2]  }
0x83: {  	s0 =	sadd.s32 @!p0 $0x100000, s0  }
0x84: {  	[sflag:s0] =	ssyncadd.tile.s32 @!p0 $0x1;
	_ =	shalt  }
.Lfunc_end1:
_tile_overlayer_lowered:
.L_overlay_start_2:
0x85: {  	(tag) =	ssettag $0x2  }
0x86: {  	s0 =	rddreg [dreg:$0x0];
	s2 =	stileid.u32  }
0x87: {  	s1 =	rddreg [dreg:$0x1];
	p0 =	sne.s32 s2, $0x0  }
0x88: {  	s3 =	rddreg [dreg:$0x2];
	[bflag:$0x3] =	sbarrier.arrive $0xFFFF;
	s2 =	simm.s32 @!p0 $0x1C01  }
0x89: {  	[timem:s3], [sflag:s2] =	dma.local @!p0 [hbm:s0], s1  }
0x8a: {  	s0 =	simm.s32 @!p0 $0x1  }
0x8b: {  	_ =	swait.ge @!p0 [sflag:s0], s1  }
0x8c: {  	s1 =	ssub.s32 @!p0 $0x0, s1;
	[sflag:s0] =	ssyncset.done @!p0 $0x0  }
0x8d: {  	[sflag:s0] =	ssyncadd.s32 @!p0 s1  }
0x8e: {  	[bflag:$0x3] =	sbarrier.arrive $0xFFFF  }
0x8f: {  	_ =	shalt  }

</sc_bundles>
